<compile_context>
chip_gen: v7x
topology: tpu7x:2x2x1
jax: 0.10.2.dev20260603
libtpu: 0.0.44.dev20260713+nightly
codegen_flags: <defaults>
</compile_context>

<pallas_src>
import functools

import jax
import jax.numpy as jnp
from jax import lax
from jax.experimental import pallas as pl
from jax.experimental.pallas import tpu as pltpu
from jax.experimental.pallas import tpu_sc as plsc

VOCAB_SIZE = 1000000
EMBED_DIM = 16
BATCH = 16384
MAX_NORM = 2.0

NUM_CORES = 2
NUM_SUBCORES = 16
NUM_WORKERS = NUM_CORES * NUM_SUBCORES
ROWS_PER_WORKER = BATCH // NUM_WORKERS
GROUP = 16
NUM_GROUPS = ROWS_PER_WORKER // GROUP
RING_GROUPS = 2
RING = RING_GROUPS * GROUP


def _rsqrt(x):
    i = lax.bitcast_convert_type(x, jnp.int32)
    y = lax.bitcast_convert_type(jnp.int32(0x5F3759DF) - (i >> 1), jnp.float32)
    for _ in range(3):
        y = y * (1.5 - 0.5 * x * y * y)
    return y


def _sc_embed(table_t, idx):
    mesh = plsc.VectorSubcoreMesh(core_axis_name="c", subcore_axis_name="s")

    @functools.partial(
        pl.kernel,
        out_type=jax.ShapeDtypeStruct((EMBED_DIM, BATCH), jnp.float32),
        mesh=mesh,
        compiler_params=pltpu.CompilerParams(needs_layout_passes=False),
        scratch_types=[
            pltpu.VMEM((ROWS_PER_WORKER,), jnp.int32),
            pltpu.VMEM((RING, EMBED_DIM, 128), jnp.float32),
            pltpu.VMEM((EMBED_DIM, ROWS_PER_WORKER), jnp.float32),
            pltpu.SemaphoreType.DMA,
        ],
    )
    def k(table_hbm, idx_hbm, out_hbm, idx_v, blocks_v, out_v, sem):
        wid = lax.axis_index("s") * NUM_CORES + lax.axis_index("c")
        base = wid * ROWS_PER_WORKER
        pltpu.sync_copy(idx_hbm.at[pl.ds(base, ROWS_PER_WORKER)], idx_v)

        def fire(g, slot):
            v = (idx_v[pl.ds(g * GROUP, GROUP)] >> 7) << 7
            for r16 in range(GROUP):
                cb = pl.multiple_of(v[r16], 128)
                pltpu.async_copy(
                    table_hbm.at[:, pl.ds(cb, 128)],
                    blocks_v.at[slot + r16],
                    sem,
                )

        lanes = lax.iota(jnp.int32, 16)

        def process(g, slot):
            for _ in range(GROUP):
                pltpu.make_async_copy(
                    table_hbm.at[:, pl.ds(0, 128)], blocks_v.at[0], sem
                ).wait()
            col = idx_v[pl.ds(g * GROUP, GROUP)] & 127
            bufs = slot + lanes
            vals = []
            for d in range(EMBED_DIM):
                vals.append(
                    plsc.load_gather(
                        blocks_v, [bufs, jnp.full((16,), d, jnp.int32), col]
                    )
                )
            ss = vals[0] * vals[0]
            for d in range(1, EMBED_DIM):
                ss = ss + vals[d] * vals[d]
            scale = jnp.where(ss > MAX_NORM * MAX_NORM, MAX_NORM * _rsqrt(ss), 1.0)
            osl = pl.ds(g * GROUP, GROUP)
            for d in range(EMBED_DIM):
                out_v[d, osl] = vals[d] * scale

        for p in range(RING_GROUPS):
            fire(p, p * GROUP)

        @pl.loop(0, NUM_GROUPS)
        def _pipeline(g):
            slot = (g % RING_GROUPS) * GROUP
            process(g, slot)

            @pl.when(g < NUM_GROUPS - RING_GROUPS)
            def _refill():
                fire(g + RING_GROUPS, slot)

        pltpu.sync_copy(out_v, out_hbm.at[:, pl.ds(base, ROWS_PER_WORKER)])

    return k(table_t, idx)


def kernel(data, table):
    table_t = table.T
    out_t = _sc_embed(table_t, data)
    return out_t.T

# --- scband reference (transcript-rebuilt; emitter-appended) ---
"""Pipeline reference for scband-data-embedding-46411416600950 (READ-ONLY COPY).

The authoritative reference and input builder live on the scoring server;
editing this copy changes nothing except your own understanding.
"""

import jax, jax.numpy as jnp
import numpy as np

VOCAB_SIZE = 1000000
EMBED_DIM = 16
BATCH = 16384
PAD_IDX = VOCAB_SIZE - 1
MAX_NORM = 2.0


def setup_inputs(seed: int = 0) -> dict:
    key = jax.random.key(seed)
    k1, k2 = jax.random.split(key)
    # indices in [0, VOCAB_SIZE-1) so padding row is never hit by random data
    indices = jax.random.randint(k1, (BATCH,), 0, VOCAB_SIZE - 1).astype(jnp.int32)
    # embedding table (nn.Embedding default init ~ N(0,1)); padding row zeroed at init
    table = jax.random.normal(k2, (VOCAB_SIZE, EMBED_DIM), dtype=jnp.float32)
    table = table.at[PAD_IDX].set(0.0)
    return {"data": indices, "table": table}


def reference(data, table):
    # Embedding lookup (the hash->index mapping in the torch module produces
    # integer indices; here they are supplied directly).
    emb = jnp.take(table, data, axis=0)
    # torch nn.Embedding(max_norm=2.0): rows touched by the lookup are
    # renormalized in-place so their L2 norm is at most max_norm.
    # The returned embeddings are the renormalized rows.
    norms = jnp.linalg.norm(emb, axis=-1, keepdims=True)
    scale = jnp.where(norms > MAX_NORM, MAX_NORM / (norms + 1e-7), 1.0)
    return emb * scale

if __name__ == "__main__":
    import jax
    _d = setup_inputs()
    print(jax.jit(kernel)(*tuple(_d.values())))

</pallas_src>

<mosaic_0001>
#map = affine_map<(d0, d1) -> (0, 0)>
#map1 = affine_map<(d0, d1) -> (0)>
module attributes {stable_mosaic.version = 14 : i64} {
  func.func @k(%arg0: i32, %arg1: i32, %arg2: memref<16x1000000xf32, #tpu.memory_space<hbm>>, %arg3: memref<16384xi32, #tpu.memory_space<hbm>>, %arg4: memref<16x16384xf32, #tpu.memory_space<hbm>>, %arg5: memref<512xi32, #tpu.memory_space<vmem>>, %arg6: memref<32x16x128xf32, #tpu.memory_space<vmem>>, %arg7: memref<16x512xf32, #tpu.memory_space<vmem>>, %arg8: memref<!tpu.dma_semaphore, #tpu.memory_space<semaphore_mem>>) attributes {dimension_semantics = [#tpu.dimension_semantics<core_parallel>, #tpu.dimension_semantics<subcore_parallel>], iteration_bounds = array<i64: 2, 16>, scalar_prefetch = 0 : i64, scratch_operands = 4 : i64, tpu.core_type = #tpu.core_type<sc_vector_subcore>, window_params = [{transform_indices = #map}, {transform_indices = #map1}, {transform_indices = #map}]} {
    %mul3A = arith.constant 2 : i32
    %mul3A_0 = arith.muli %arg1, %mul3A : i32
    %add3A = arith.addi %mul3A_0, %arg0 : i32
    %mul3A_1 = arith.constant 512 : i32
    %mul3A_2 = arith.muli %add3A, %mul3A_1 : i32
    "tpu.region"() ({
      %run_scoped3A = tpu.sem_alloc : memref<!tpu.dma_semaphore, #tpu.memory_space<semaphore_mem>>
      %dma_start3A_528 = tpu.memref_slice %arg3[%mul3A_2] : memref<16384xi32, #tpu.memory_space<hbm>> -> memref<512xi32, #tpu.memory_space<hbm>>
      %dma_start3A_529 = tpu.memref_slice %arg3[%mul3A_2] : memref<16384xi32, #tpu.memory_space<hbm>> -> memref<512xi32, #tpu.memory_space<hbm>>
      tpu.enqueue_dma source(%dma_start3A_529 : memref<512xi32, #tpu.memory_space<hbm>>) target(%arg5 : memref<512xi32, #tpu.memory_space<vmem>>) target_semaphore(%run_scoped3A : memref<!tpu.dma_semaphore, #tpu.memory_space<semaphore_mem>>)
      %dma_wait3A = tpu.memref_slice %arg3[%mul3A_2] : memref<16384xi32, #tpu.memory_space<hbm>> -> memref<512xi32, #tpu.memory_space<hbm>>
      %dma_wait3A_530 = tpu.memref_slice %arg3[%mul3A_2] : memref<16384xi32, #tpu.memory_space<hbm>> -> memref<512xi32, #tpu.memory_space<hbm>>
      tpu.wait_dma2 semaphore(%run_scoped3A : memref<!tpu.dma_semaphore, #tpu.memory_space<semaphore_mem>>) src(%dma_wait3A_530 : memref<512xi32, #tpu.memory_space<hbm>>) dst(%arg5 : memref<512xi32, #tpu.memory_space<vmem>>)
      tpu.yield
    }) : () -> ()
    %iota3A = tpu.iota {dimensions = array<i32: 0>} : vector<16xi32>
    %get3A = arith.constant 0 : index
    %get3A_3 = tpu.vector_load %arg5[%get3A] {strides = array<i32>} : memref<512xi32, #tpu.memory_space<vmem>>, vector<16xi32>,
    %shift_right_arithmetic3A = arith.constant 7 : i32
    %shift_right_arithmetic3A_4 = vector.broadcast %shift_right_arithmetic3A : i32 to vector<16xi32>
    %shift_right_arithmetic3A_5 = arith.shrsi %get3A_3, %shift_right_arithmetic3A_4 : vector<16xi32>
    %shift_left3A = arith.constant 7 : i32
    %shift_left3A_6 = vector.broadcast %shift_left3A : i32 to vector<16xi32>
    %shift_left3A_7 = arith.shli %shift_right_arithmetic3A_5, %shift_left3A_6 : vector<16xi32>
    %slice3A = vector.extract_strided_slice %shift_left3A_7 {offsets = [0], sizes = [1], strides = [1]} : vector<16xi32> to vector<1xi32>
    %squeeze3A = vector.extract %slice3A[0] : i32 from vector<1xi32>
    %multiple_of3A = tpu.assume_multiple %squeeze3A, 128 : i32
    %dma_start3A = arith.constant 0 : i32
    %dma_start3A_8 = arith.constant 0 : i32
    %dma_start3A_9 = arith.constant 0 : i32
    %dma_start3A_10 = tpu.memref_slice %arg6[%dma_start3A, %dma_start3A_8, %dma_start3A_9] : memref<32x16x128xf32, #tpu.memory_space<vmem>> -> memref<1x16x128xf32, #tpu.memory_space<vmem>>
    %dma_start3A_11 = tpu.memref_squeeze %dma_start3A_10 : memref<1x16x128xf32, #tpu.memory_space<vmem>> -> memref<16x128xf32, #tpu.memory_space<vmem>>
    %dma_start3A_12 = arith.constant 0 : i32
    %dma_start3A_13 = tpu.memref_slice %arg2[%dma_start3A_12, %multiple_of3A] : memref<16x1000000xf32, #tpu.memory_space<hbm>> -> memref<16x128xf32, #tpu.memory_space<hbm>>
    %dma_start3A_14 = arith.constant 0 : i32
    %dma_start3A_15 = arith.constant 0 : i32
    %dma_start3A_16 = tpu.memref_slice %arg6[%dma_start3A, %dma_start3A_14, %dma_start3A_15] : memref<32x16x128xf32, #tpu.memory_space<vmem>> -> memref<1x16x128xf32, #tpu.memory_space<vmem>>
    %dma_start3A_17 = tpu.memref_squeeze %dma_start3A_16 : memref<1x16x128xf32, #tpu.memory_space<vmem>> -> memref<16x128xf32, #tpu.memory_space<vmem>>
    %dma_start3A_18 = arith.constant 0 : i32
    %dma_start3A_19 = tpu.memref_slice %arg2[%dma_start3A_18, %multiple_of3A] : memref<16x1000000xf32, #tpu.memory_space<hbm>> -> memref<16x128xf32, #tpu.memory_space<hbm>>
    tpu.enqueue_dma source(%dma_start3A_19 : memref<16x128xf32, #tpu.memory_space<hbm>>) target(%dma_start3A_17 : memref<16x128xf32, #tpu.memory_space<vmem>>) target_semaphore(%arg8 : memref<!tpu.dma_semaphore, #tpu.memory_space<semaphore_mem>>)
    %slice3A_20 = vector.extract_strided_slice %shift_left3A_7 {offsets = [1], sizes = [1], strides = [1]} : vector<16xi32> to vector<1xi32>
    %squeeze3A_21 = vector.extract %slice3A_20[0] : i32 from vector<1xi32>
    %multiple_of3A_22 = tpu.assume_multiple %squeeze3A_21, 128 : i32
    %dma_start3A_23 = arith.constant 1 : i32
    %dma_start3A_24 = arith.constant 0 : i32
    %dma_start3A_25 = arith.constant 0 : i32
    %dma_start3A_26 = tpu.memref_slice %arg6[%dma_start3A_23, %dma_start3A_24, %dma_start3A_25] : memref<32x16x128xf32, #tpu.memory_space<vmem>> -> memref<1x16x128xf32, #tpu.memory_space<vmem>>
    %dma_start3A_27 = tpu.memref_squeeze %dma_start3A_26 : memref<1x16x128xf32, #tpu.memory_space<vmem>> -> memref<16x128xf32, #tpu.memory_space<vmem>>
    %dma_start3A_28 = arith.constant 0 : i32
    %dma_start3A_29 = tpu.memref_slice %arg2[%dma_start3A_28, %multiple_of3A_22] : memref<16x1000000xf32, #tpu.memory_space<hbm>> -> memref<16x128xf32, #tpu.memory_space<hbm>>
    %dma_start3A_30 = arith.constant 0 : i32
    %dma_start3A_31 = arith.constant 0 : i32
    %dma_start3A_32 = tpu.memref_slice %arg6[%dma_start3A_23, %dma_start3A_30, %dma_start3A_31] : memref<32x16x128xf32, #tpu.memory_space<vmem>> -> memref<1x16x128xf32, #tpu.memory_space<vmem>>
    %dma_start3A_33 = tpu.memref_squeeze %dma_start3A_32 : memref<1x16x128xf32, #tpu.memory_space<vmem>> -> memref<16x128xf32, #tpu.memory_space<vmem>>
    %dma_start3A_34 = arith.constant 0 : i32
    %dma_start3A_35 = tpu.memref_slice %arg2[%dma_start3A_34, %multiple_of3A_22] : memref<16x1000000xf32, #tpu.memory_space<hbm>> -> memref<16x128xf32, #tpu.memory_space<hbm>>
    tpu.enqueue_dma source(%dma_start3A_35 : memref<16x128xf32, #tpu.memory_space<hbm>>) target(%dma_start3A_33 : memref<16x128xf32, #tpu.memory_space<vmem>>) target_semaphore(%arg8 : memref<!tpu.dma_semaphore, #tpu.memory_space<semaphore_mem>>)
    %slice3A_36 = vector.extract_strided_slice %shift_left3A_7 {offsets = [2], sizes = [1], strides = [1]} : vector<16xi32> to vector<1xi32>
    %squeeze3A_37 = vector.extract %slice3A_36[0] : i32 from vector<1xi32>
    %multiple_of3A_38 = tpu.assume_multiple %squeeze3A_37, 128 : i32
    %dma_start3A_39 = arith.constant 2 : i32
    %dma_start3A_40 = arith.constant 0 : i32
    %dma_start3A_41 = arith.constant 0 : i32
    %dma_start3A_42 = tpu.memref_slice %arg6[%dma_start3A_39, %dma_start3A_40, %dma_start3A_41] : memref<32x16x128xf32, #tpu.memory_space<vmem>> -> memref<1x16x128xf32, #tpu.memory_space<vmem>>
    %dma_start3A_43 = tpu.memref_squeeze %dma_start3A_42 : memref<1x16x128xf32, #tpu.memory_space<vmem>> -> memref<16x128xf32, #tpu.memory_space<vmem>>
    %dma_start3A_44 = arith.constant 0 : i32
    %dma_start3A_45 = tpu.memref_slice %arg2[%dma_start3A_44, %multiple_of3A_38] : memref<16x1000000xf32, #tpu.memory_space<hbm>> -> memref<16x128xf32, #tpu.memory_space<hbm>>
    %dma_start3A_46 = arith.constant 0 : i32
    %dma_start3A_47 = arith.constant 0 : i32
    %dma_start3A_48 = tpu.memref_slice %arg6[%dma_start3A_39, %dma_start3A_46, %dma_start3A_47] : memref<32x16x128xf32, #tpu.memory_space<vmem>> -> memref<1x16x128xf32, #tpu.memory_space<vmem>>
    %dma_start3A_49 = tpu.memref_squeeze %dma_start3A_48 : memref<1x16x128xf32, #tpu.memory_space<vmem>> -> memref<16x128xf32, #tpu.memory_space<vmem>>
    %dma_start3A_50 = arith.constant 0 : i32
    %dma_start3A_51 = tpu.memref_slice %arg2[%dma_start3A_50, %multiple_of3A_38] : memref<16x1000000xf32, #tpu.memory_space<hbm>> -> memref<16x128xf32, #tpu.memory_space<hbm>>
    tpu.enqueue_dma source(%dma_start3A_51 : memref<16x128xf32, #tpu.memory_space<hbm>>) target(%dma_start3A_49 : memref<16x128xf32, #tpu.memory_space<vmem>>) target_semaphore(%arg8 : memref<!tpu.dma_semaphore, #tpu.memory_space<semaphore_mem>>)
    %slice3A_52 = vector.extract_strided_slice %shift_left3A_7 {offsets = [3], sizes = [1], strides = [1]} : vector<16xi32> to vector<1xi32>
    %squeeze3A_53 = vector.extract %slice3A_52[0] : i32 from vector<1xi32>
    %multiple_of3A_54 = tpu.assume_multiple %squeeze3A_53, 128 : i32
    %dma_start3A_55 = arith.constant 3 : i32
    %dma_start3A_56 = arith.constant 0 : i32
    %dma_start3A_57 = arith.constant 0 : i32
    %dma_start3A_58 = tpu.memref_slice %arg6[%dma_start3A_55, %dma_start3A_56, %dma_start3A_57] : memref<32x16x128xf32, #tpu.memory_space<vmem>> -> memref<1x16x128xf32, #tpu.memory_space<vmem>>
    %dma_start3A_59 = tpu.memref_squeeze %dma_start3A_58 : memref<1x16x128xf32, #tpu.memory_space<vmem>> -> memref<16x128xf32, #tpu.memory_space<vmem>>
    %dma_start3A_60 = arith.constant 0 : i32
    %dma_start3A_61 = tpu.memref_slice %arg2[%dma_start3A_60, %multiple_of3A_54] : memref<16x1000000xf32, #tpu.memory_space<hbm>> -> memref<16x128xf32, #tpu.memory_space<hbm>>
    %dma_start3A_62 = arith.constant 0 : i32
    %dma_start3A_63 = arith.constant 0 : i32
    %dma_start3A_64 = tpu.memref_slice %arg6[%dma_start3A_55, %dma_start3A_62, %dma_start3A_63] : memref<32x16x128xf32, #tpu.memory_space<vmem>> -> memref<1x16x128xf32, #tpu.memory_space<vmem>>
    %dma_start3A_65 = tpu.memref_squeeze %dma_start3A_64 : memref<1x16x128xf32, #tpu.memory_space<vmem>> -> memref<16x128xf32, #tpu.memory_space<vmem>>
    %dma_start3A_66 = arith.constant 0 : i32
    %dma_start3A_67 = tpu.memref_slice %arg2[%dma_start3A_66, %multiple_of3A_54] : memref<16x1000000xf32, #tpu.memory_space<hbm>> -> memref<16x128xf32, #tpu.memory_space<hbm>>
    tpu.enqueue_dma source(%dma_start3A_67 : memref<16x128xf32, #tpu.memory_space<hbm>>) target(%dma_start3A_65 : memref<16x128xf32, #tpu.memory_space<vmem>>) target_semaphore(%arg8 : memref<!tpu.dma_semaphore, #tpu.memory_space<semaphore_mem>>)
    %slice3A_68 = vector.extract_strided_slice %shift_left3A_7 {offsets = [4], sizes = [1], strides = [1]} : vector<16xi32> to vector<1xi32>
    %squeeze3A_69 = vector.extract %slice3A_68[0] : i32 from vector<1xi32>
    %multiple_of3A_70 = tpu.assume_multiple %squeeze3A_69, 128 : i32
    %dma_start3A_71 = arith.constant 4 : i32
    %dma_start3A_72 = arith.constant 0 : i32
    %dma_start3A_73 = arith.constant 0 : i32
    %dma_start3A_74 = tpu.memref_slice %arg6[%dma_start3A_71, %dma_start3A_72, %dma_start3A_73] : memref<32x16x128xf32, #tpu.memory_space<vmem>> -> memref<1x16x128xf32, #tpu.memory_space<vmem>>
    %dma_start3A_75 = tpu.memref_squeeze %dma_start3A_74 : memref<1x16x128xf32, #tpu.memory_space<vmem>> -> memref<16x128xf32, #tpu.memory_space<vmem>>
    %dma_start3A_76 = arith.constant 0 : i32
    %dma_start3A_77 = tpu.memref_slice %arg2[%dma_start3A_76, %multiple_of3A_70] : memref<16x1000000xf32, #tpu.memory_space<hbm>> -> memref<16x128xf32, #tpu.memory_space<hbm>>
    %dma_start3A_78 = arith.constant 0 : i32
    %dma_start3A_79 = arith.constant 0 : i32
    %dma_start3A_80 = tpu.memref_slice %arg6[%dma_start3A_71, %dma_start3A_78, %dma_start3A_79] : memref<32x16x128xf32, #tpu.memory_space<vmem>> -> memref<1x16x128xf32, #tpu.memory_space<vmem>>
    %dma_start3A_81 = tpu.memref_squeeze %dma_start3A_80 : memref<1x16x128xf32, #tpu.memory_space<vmem>> -> memref<16x128xf32, #tpu.memory_space<vmem>>
    %dma_start3A_82 = arith.constant 0 : i32
    %dma_start3A_83 = tpu.memref_slice %arg2[%dma_start3A_82, %multiple_of3A_70] : memref<16x1000000xf32, #tpu.memory_space<hbm>> -> memref<16x128xf32, #tpu.memory_space<hbm>>
    tpu.enqueue_dma source(%dma_start3A_83 : memref<16x128xf32, #tpu.memory_space<hbm>>) target(%dma_start3A_81 : memref<16x128xf32, #tpu.memory_space<vmem>>) target_semaphore(%arg8 : memref<!tpu.dma_semaphore, #tpu.memory_space<semaphore_mem>>)
    %slice3A_84 = vector.extract_strided_slice %shift_left3A_7 {offsets = [5], sizes = [1], strides = [1]} : vector<16xi32> to vector<1xi32>
    %squeeze3A_85 = vector.extract %slice3A_84[0] : i32 from vector<1xi32>
    %multiple_of3A_86 = tpu.assume_multiple %squeeze3A_85, 128 : i32
    %dma_start3A_87 = arith.constant 5 : i32
    %dma_start3A_88 = arith.constant 0 : i32
    %dma_start3A_89 = arith.constant 0 : i32
    %dma_start3A_90 = tpu.memref_slice %arg6[%dma_start3A_87, %dma_start3A_88, %dma_start3A_89] : memref<32x16x128xf32, #tpu.memory_space<vmem>> -> memref<1x16x128xf32, #tpu.memory_space<vmem>>
    %dma_start3A_91 = tpu.memref_squeeze %dma_start3A_90 : memref<1x16x128xf32, #tpu.memory_space<vmem>> -> memref<16x128xf32, #tpu.memory_space<vmem>>
    %dma_start3A_92 = arith.constant 0 : i32
    %dma_start3A_93 = tpu.memref_slice %arg2[%dma_start3A_92, %multiple_of3A_86] : memref<16x1000000xf32, #tpu.memory_space<hbm>> -> memref<16x128xf32, #tpu.memory_space<hbm>>
    %dma_start3A_94 = arith.constant 0 : i32
    %dma_start3A_95 = arith.constant 0 : i32
    %dma_start3A_96 = tpu.memref_slice %arg6[%dma_start3A_87, %dma_start3A_94, %dma_start3A_95] : memref<32x16x128xf32, #tpu.memory_space<vmem>> -> memref<1x16x128xf32, #tpu.memory_space<vmem>>
    %dma_start3A_97 = tpu.memref_squeeze %dma_start3A_96 : memref<1x16x128xf32, #tpu.memory_space<vmem>> -> memref<16x128xf32, #tpu.memory_space<vmem>>
    %dma_start3A_98 = arith.constant 0 : i32
    %dma_start3A_99 = tpu.memref_slice %arg2[%dma_start3A_98, %multiple_of3A_86] : memref<16x1000000xf32, #tpu.memory_space<hbm>> -> memref<16x128xf32, #tpu.memory_space<hbm>>
    tpu.enqueue_dma source(%dma_start3A_99 : memref<16x128xf32, #tpu.memory_space<hbm>>) target(%dma_start3A_97 : memref<16x128xf32, #tpu.memory_space<vmem>>) target_semaphore(%arg8 : memref<!tpu.dma_semaphore, #tpu.memory_space<semaphore_mem>>)
    %slice3A_100 = vector.extract_strided_slice %shift_left3A_7 {offsets = [6], sizes = [1], strides = [1]} : vector<16xi32> to vector<1xi32>
    %squeeze3A_101 = vector.extract %slice3A_100[0] : i32 from vector<1xi32>
    %multiple_of3A_102 = tpu.assume_multiple %squeeze3A_101, 128 : i32
    %dma_start3A_103 = arith.constant 6 : i32
    %dma_start3A_104 = arith.constant 0 : i32
    %dma_start3A_105 = arith.constant 0 : i32
    %dma_start3A_106 = tpu.memref_slice %arg6[%dma_start3A_103, %dma_start3A_104, %dma_start3A_105] : memref<32x16x128xf32, #tpu.memory_space<vmem>> -> memref<1x16x128xf32, #tpu.memory_space<vmem>>
    %dma_start3A_107 = tpu.memref_squeeze %dma_start3A_106 : memref<1x16x128xf32, #tpu.memory_space<vmem>> -> memref<16x128xf32, #tpu.memory_space<vmem>>
    %dma_start3A_108 = arith.constant 0 : i32
    %dma_start3A_109 = tpu.memref_slice %arg2[%dma_start3A_108, %multiple_of3A_102] : memref<16x1000000xf32, #tpu.memory_space<hbm>> -> memref<16x128xf32, #tpu.memory_space<hbm>>
    %dma_start3A_110 = arith.constant 0 : i32
    %dma_start3A_111 = arith.constant 0 : i32
    %dma_start3A_112 = tpu.memref_slice %arg6[%dma_start3A_103, %dma_start3A_110, %dma_start3A_111] : memref<32x16x128xf32, #tpu.memory_space<vmem>> -> memref<1x16x128xf32, #tpu.memory_space<vmem>>
    %dma_start3A_113 = tpu.memref_squeeze %dma_start3A_112 : memref<1x16x128xf32, #tpu.memory_space<vmem>> -> memref<16x128xf32, #tpu.memory_space<vmem>>
    %dma_start3A_114 = arith.constant 0 : i32
    %dma_start3A_115 = tpu.memref_slice %arg2[%dma_start3A_114, %multiple_of3A_102] : memref<16x1000000xf32, #tpu.memory_space<hbm>> -> memref<16x128xf32, #tpu.memory_space<hbm>>
    tpu.enqueue_dma source(%dma_start3A_115 : memref<16x128xf32, #tpu.memory_space<hbm>>) target(%dma_start3A_113 : memref<16x128xf32, #tpu.memory_space<vmem>>) target_semaphore(%arg8 : memref<!tpu.dma_semaphore, #tpu.memory_space<semaphore_mem>>)
    %slice3A_116 = vector.extract_strided_slice %shift_left3A_7 {offsets = [7], sizes = [1], strides = [1]} : vector<16xi32> to vector<1xi32>
    %squeeze3A_117 = vector.extract %slice3A_116[0] : i32 from vector<1xi32>
    %multiple_of3A_118 = tpu.assume_multiple %squeeze3A_117, 128 : i32
    %dma_start3A_119 = arith.constant 7 : i32
    %dma_start3A_120 = arith.constant 0 : i32
    %dma_start3A_121 = arith.constant 0 : i32
    %dma_start3A_122 = tpu.memref_slice %arg6[%dma_start3A_119, %dma_start3A_120, %dma_start3A_121] : memref<32x16x128xf32, #tpu.memory_space<vmem>> -> memref<1x16x128xf32, #tpu.memory_space<vmem>>
    %dma_start3A_123 = tpu.memref_squeeze %dma_start3A_122 : memref<1x16x128xf32, #tpu.memory_space<vmem>> -> memref<16x128xf32, #tpu.memory_space<vmem>>
    %dma_start3A_124 = arith.constant 0 : i32
    %dma_start3A_125 = tpu.memref_slice %arg2[%dma_start3A_124, %multiple_of3A_118] : memref<16x1000000xf32, #tpu.memory_space<hbm>> -> memref<16x128xf32, #tpu.memory_space<hbm>>
    %dma_start3A_126 = arith.constant 0 : i32
    %dma_start3A_127 = arith.constant 0 : i32
    %dma_start3A_128 = tpu.memref_slice %arg6[%dma_start3A_119, %dma_start3A_126, %dma_start3A_127] : memref<32x16x128xf32, #tpu.memory_space<vmem>> -> memref<1x16x128xf32, #tpu.memory_space<vmem>>
    %dma_start3A_129 = tpu.memref_squeeze %dma_start3A_128 : memref<1x16x128xf32, #tpu.memory_space<vmem>> -> memref<16x128xf32, #tpu.memory_space<vmem>>
    %dma_start3A_130 = arith.constant 0 : i32
    %dma_start3A_131 = tpu.memref_slice %arg2[%dma_start3A_130, %multiple_of3A_118] : memref<16x1000000xf32, #tpu.memory_space<hbm>> -> memref<16x128xf32, #tpu.memory_space<hbm>>
    tpu.enqueue_dma source(%dma_start3A_131 : memref<16x128xf32, #tpu.memory_space<hbm>>) target(%dma_start3A_129 : memref<16x128xf32, #tpu.memory_space<vmem>>) target_semaphore(%arg8 : memref<!tpu.dma_semaphore, #tpu.memory_space<semaphore_mem>>)
    %slice3A_132 = vector.extract_strided_slice %shift_left3A_7 {offsets = [8], sizes = [1], strides = [1]} : vector<16xi32> to vector<1xi32>
    %squeeze3A_133 = vector.extract %slice3A_132[0] : i32 from vector<1xi32>
    %multiple_of3A_134 = tpu.assume_multiple %squeeze3A_133, 128 : i32
    %dma_start3A_135 = arith.constant 8 : i32
    %dma_start3A_136 = arith.constant 0 : i32
    %dma_start3A_137 = arith.constant 0 : i32
    %dma_start3A_138 = tpu.memref_slice %arg6[%dma_start3A_135, %dma_start3A_136, %dma_start3A_137] : memref<32x16x128xf32, #tpu.memory_space<vmem>> -> memref<1x16x128xf32, #tpu.memory_space<vmem>>
    %dma_start3A_139 = tpu.memref_squeeze %dma_start3A_138 : memref<1x16x128xf32, #tpu.memory_space<vmem>> -> memref<16x128xf32, #tpu.memory_space<vmem>>
    %dma_start3A_140 = arith.constant 0 : i32
    %dma_start3A_141 = tpu.memref_slice %arg2[%dma_start3A_140, %multiple_of3A_134] : memref<16x1000000xf32, #tpu.memory_space<hbm>> -> memref<16x128xf32, #tpu.memory_space<hbm>>
    %dma_start3A_142 = arith.constant 0 : i32
    %dma_start3A_143 = arith.constant 0 : i32
    %dma_start3A_144 = tpu.memref_slice %arg6[%dma_start3A_135, %dma_start3A_142, %dma_start3A_143] : memref<32x16x128xf32, #tpu.memory_space<vmem>> -> memref<1x16x128xf32, #tpu.memory_space<vmem>>
    %dma_start3A_145 = tpu.memref_squeeze %dma_start3A_144 : memref<1x16x128xf32, #tpu.memory_space<vmem>> -> memref<16x128xf32, #tpu.memory_space<vmem>>
    %dma_start3A_146 = arith.constant 0 : i32
    %dma_start3A_147 = tpu.memref_slice %arg2[%dma_start3A_146, %multiple_of3A_134] : memref<16x1000000xf32, #tpu.memory_space<hbm>> -> memref<16x128xf32, #tpu.memory_space<hbm>>
    tpu.enqueue_dma source(%dma_start3A_147 : memref<16x128xf32, #tpu.memory_space<hbm>>) target(%dma_start3A_145 : memref<16x128xf32, #tpu.memory_space<vmem>>) target_semaphore(%arg8 : memref<!tpu.dma_semaphore, #tpu.memory_space<semaphore_mem>>)
    %slice3A_148 = vector.extract_strided_slice %shift_left3A_7 {offsets = [9], sizes = [1], strides = [1]} : vector<16xi32> to vector<1xi32>
    %squeeze3A_149 = vector.extract %slice3A_148[0] : i32 from vector<1xi32>
    %multiple_of3A_150 = tpu.assume_multiple %squeeze3A_149, 128 : i32
    %dma_start3A_151 = arith.constant 9 : i32
    %dma_start3A_152 = arith.constant 0 : i32
    %dma_start3A_153 = arith.constant 0 : i32
    %dma_start3A_154 = tpu.memref_slice %arg6[%dma_start3A_151, %dma_start3A_152, %dma_start3A_153] : memref<32x16x128xf32, #tpu.memory_space<vmem>> -> memref<1x16x128xf32, #tpu.memory_space<vmem>>
    %dma_start3A_155 = tpu.memref_squeeze %dma_start3A_154 : memref<1x16x128xf32, #tpu.memory_space<vmem>> -> memref<16x128xf32, #tpu.memory_space<vmem>>
    %dma_start3A_156 = arith.constant 0 : i32
    %dma_start3A_157 = tpu.memref_slice %arg2[%dma_start3A_156, %multiple_of3A_150] : memref<16x1000000xf32, #tpu.memory_space<hbm>> -> memref<16x128xf32, #tpu.memory_space<hbm>>
    %dma_start3A_158 = arith.constant 0 : i32
    %dma_start3A_159 = arith.constant 0 : i32
    %dma_start3A_160 = tpu.memref_slice %arg6[%dma_start3A_151, %dma_start3A_158, %dma_start3A_159] : memref<32x16x128xf32, #tpu.memory_space<vmem>> -> memref<1x16x128xf32, #tpu.memory_space<vmem>>
    %dma_start3A_161 = tpu.memref_squeeze %dma_start3A_160 : memref<1x16x128xf32, #tpu.memory_space<vmem>> -> memref<16x128xf32, #tpu.memory_space<vmem>>
    %dma_start3A_162 = arith.constant 0 : i32
    %dma_start3A_163 = tpu.memref_slice %arg2[%dma_start3A_162, %multiple_of3A_150] : memref<16x1000000xf32, #tpu.memory_space<hbm>> -> memref<16x128xf32, #tpu.memory_space<hbm>>
    tpu.enqueue_dma source(%dma_start3A_163 : memref<16x128xf32, #tpu.memory_space<hbm>>) target(%dma_start3A_161 : memref<16x128xf32, #tpu.memory_space<vmem>>) target_semaphore(%arg8 : memref<!tpu.dma_semaphore, #tpu.memory_space<semaphore_mem>>)
    %slice3A_164 = vector.extract_strided_slice %shift_left3A_7 {offsets = [10], sizes = [1], strides = [1]} : vector<16xi32> to vector<1xi32>
    %squeeze3A_165 = vector.extract %slice3A_164[0] : i32 from vector<1xi32>
    %multiple_of3A_166 = tpu.assume_multiple %squeeze3A_165, 128 : i32
    %dma_start3A_167 = arith.constant 10 : i32
    %dma_start3A_168 = arith.constant 0 : i32
    %dma_start3A_169 = arith.constant 0 : i32
    %dma_start3A_170 = tpu.memref_slice %arg6[%dma_start3A_167, %dma_start3A_168, %dma_start3A_169] : memref<32x16x128xf32, #tpu.memory_space<vmem>> -> memref<1x16x128xf32, #tpu.memory_space<vmem>>
    %dma_start3A_171 = tpu.memref_squeeze %dma_start3A_170 : memref<1x16x128xf32, #tpu.memory_space<vmem>> -> memref<16x128xf32, #tpu.memory_space<vmem>>
    %dma_start3A_172 = arith.constant 0 : i32
    %dma_start3A_173 = tpu.memref_slice %arg2[%dma_start3A_172, %multiple_of3A_166] : memref<16x1000000xf32, #tpu.memory_space<hbm>> -> memref<16x128xf32, #tpu.memory_space<hbm>>
    %dma_start3A_174 = arith.constant 0 : i32
    %dma_start3A_175 = arith.constant 0 : i32
    %dma_start3A_176 = tpu.memref_slice %arg6[%dma_start3A_167, %dma_start3A_174, %dma_start3A_175] : memref<32x16x128xf32, #tpu.memory_space<vmem>> -> memref<1x16x128xf32, #tpu.memory_space<vmem>>
    %dma_start3A_177 = tpu.memref_squeeze %dma_start3A_176 : memref<1x16x128xf32, #tpu.memory_space<vmem>> -> memref<16x128xf32, #tpu.memory_space<vmem>>
    %dma_start3A_178 = arith.constant 0 : i32
    %dma_start3A_179 = tpu.memref_slice %arg2[%dma_start3A_178, %multiple_of3A_166] : memref<16x1000000xf32, #tpu.memory_space<hbm>> -> memref<16x128xf32, #tpu.memory_space<hbm>>
    tpu.enqueue_dma source(%dma_start3A_179 : memref<16x128xf32, #tpu.memory_space<hbm>>) target(%dma_start3A_177 : memref<16x128xf32, #tpu.memory_space<vmem>>) target_semaphore(%arg8 : memref<!tpu.dma_semaphore, #tpu.memory_space<semaphore_mem>>)
    %slice3A_180 = vector.extract_strided_slice %shift_left3A_7 {offsets = [11], sizes = [1], strides = [1]} : vector<16xi32> to vector<1xi32>
    %squeeze3A_181 = vector.extract %slice3A_180[0] : i32 from vector<1xi32>
    %multiple_of3A_182 = tpu.assume_multiple %squeeze3A_181, 128 : i32
    %dma_start3A_183 = arith.constant 11 : i32
    %dma_start3A_184 = arith.constant 0 : i32
    %dma_start3A_185 = arith.constant 0 : i32
    %dma_start3A_186 = tpu.memref_slice %arg6[%dma_start3A_183, %dma_start3A_184, %dma_start3A_185] : memref<32x16x128xf32, #tpu.memory_space<vmem>> -> memref<1x16x128xf32, #tpu.memory_space<vmem>>
    %dma_start3A_187 = tpu.memref_squeeze %dma_start3A_186 : memref<1x16x128xf32, #tpu.memory_space<vmem>> -> memref<16x128xf32, #tpu.memory_space<vmem>>
    %dma_start3A_188 = arith.constant 0 : i32
    %dma_start3A_189 = tpu.memref_slice %arg2[%dma_start3A_188, %multiple_of3A_182] : memref<16x1000000xf32, #tpu.memory_space<hbm>> -> memref<16x128xf32, #tpu.memory_space<hbm>>
    %dma_start3A_190 = arith.constant 0 : i32
    %dma_start3A_191 = arith.constant 0 : i32
    %dma_start3A_192 = tpu.memref_slice %arg6[%dma_start3A_183, %dma_start3A_190, %dma_start3A_191] : memref<32x16x128xf32, #tpu.memory_space<vmem>> -> memref<1x16x128xf32, #tpu.memory_space<vmem>>
    %dma_start3A_193 = tpu.memref_squeeze %dma_start3A_192 : memref<1x16x128xf32, #tpu.memory_space<vmem>> -> memref<16x128xf32, #tpu.memory_space<vmem>>
    %dma_start3A_194 = arith.constant 0 : i32
    %dma_start3A_195 = tpu.memref_slice %arg2[%dma_start3A_194, %multiple_of3A_182] : memref<16x1000000xf32, #tpu.memory_space<hbm>> -> memref<16x128xf32, #tpu.memory_space<hbm>>
    tpu.enqueue_dma source(%dma_start3A_195 : memref<16x128xf32, #tpu.memory_space<hbm>>) target(%dma_start3A_193 : memref<16x128xf32, #tpu.memory_space<vmem>>) target_semaphore(%arg8 : memref<!tpu.dma_semaphore, #tpu.memory_space<semaphore_mem>>)
    %slice3A_196 = vector.extract_strided_slice %shift_left3A_7 {offsets = [12], sizes = [1], strides = [1]} : vector<16xi32> to vector<1xi32>
    %squeeze3A_197 = vector.extract %slice3A_196[0] : i32 from vector<1xi32>
    %multiple_of3A_198 = tpu.assume_multiple %squeeze3A_197, 128 : i32
    %dma_start3A_199 = arith.constant 12 : i32
    %dma_start3A_200 = arith.constant 0 : i32
    %dma_start3A_201 = arith.constant 0 : i32
    %dma_start3A_202 = tpu.memref_slice %arg6[%dma_start3A_199, %dma_start3A_200, %dma_start3A_201] : memref<32x16x128xf32, #tpu.memory_space<vmem>> -> memref<1x16x128xf32, #tpu.memory_space<vmem>>
    %dma_start3A_203 = tpu.memref_squeeze %dma_start3A_202 : memref<1x16x128xf32, #tpu.memory_space<vmem>> -> memref<16x128xf32, #tpu.memory_space<vmem>>
    %dma_start3A_204 = arith.constant 0 : i32
    %dma_start3A_205 = tpu.memref_slice %arg2[%dma_start3A_204, %multiple_of3A_198] : memref<16x1000000xf32, #tpu.memory_space<hbm>> -> memref<16x128xf32, #tpu.memory_space<hbm>>
    %dma_start3A_206 = arith.constant 0 : i32
    %dma_start3A_207 = arith.constant 0 : i32
    %dma_start3A_208 = tpu.memref_slice %arg6[%dma_start3A_199, %dma_start3A_206, %dma_start3A_207] : memref<32x16x128xf32, #tpu.memory_space<vmem>> -> memref<1x16x128xf32, #tpu.memory_space<vmem>>
    %dma_start3A_209 = tpu.memref_squeeze %dma_start3A_208 : memref<1x16x128xf32, #tpu.memory_space<vmem>> -> memref<16x128xf32, #tpu.memory_space<vmem>>
    %dma_start3A_210 = arith.constant 0 : i32
    %dma_start3A_211 = tpu.memref_slice %arg2[%dma_start3A_210, %multiple_of3A_198] : memref<16x1000000xf32, #tpu.memory_space<hbm>> -> memref<16x128xf32, #tpu.memory_space<hbm>>
    tpu.enqueue_dma source(%dma_start3A_211 : memref<16x128xf32, #tpu.memory_space<hbm>>) target(%dma_start3A_209 : memref<16x128xf32, #tpu.memory_space<vmem>>) target_semaphore(%arg8 : memref<!tpu.dma_semaphore, #tpu.memory_space<semaphore_mem>>)
    %slice3A_212 = vector.extract_strided_slice %shift_left3A_7 {offsets = [13], sizes = [1], strides = [1]} : vector<16xi32> to vector<1xi32>
    %squeeze3A_213 = vector.extract %slice3A_212[0] : i32 from vector<1xi32>
    %multiple_of3A_214 = tpu.assume_multiple %squeeze3A_213, 128 : i32
    %dma_start3A_215 = arith.constant 13 : i32
    %dma_start3A_216 = arith.constant 0 : i32
    %dma_start3A_217 = arith.constant 0 : i32
    %dma_start3A_218 = tpu.memref_slice %arg6[%dma_start3A_215, %dma_start3A_216, %dma_start3A_217] : memref<32x16x128xf32, #tpu.memory_space<vmem>> -> memref<1x16x128xf32, #tpu.memory_space<vmem>>
    %dma_start3A_219 = tpu.memref_squeeze %dma_start3A_218 : memref<1x16x128xf32, #tpu.memory_space<vmem>> -> memref<16x128xf32, #tpu.memory_space<vmem>>
    %dma_start3A_220 = arith.constant 0 : i32
    %dma_start3A_221 = tpu.memref_slice %arg2[%dma_start3A_220, %multiple_of3A_214] : memref<16x1000000xf32, #tpu.memory_space<hbm>> -> memref<16x128xf32, #tpu.memory_space<hbm>>
    %dma_start3A_222 = arith.constant 0 : i32
    %dma_start3A_223 = arith.constant 0 : i32
    %dma_start3A_224 = tpu.memref_slice %arg6[%dma_start3A_215, %dma_start3A_222, %dma_start3A_223] : memref<32x16x128xf32, #tpu.memory_space<vmem>> -> memref<1x16x128xf32, #tpu.memory_space<vmem>>
    %dma_start3A_225 = tpu.memref_squeeze %dma_start3A_224 : memref<1x16x128xf32, #tpu.memory_space<vmem>> -> memref<16x128xf32, #tpu.memory_space<vmem>>
    %dma_start3A_226 = arith.constant 0 : i32
    %dma_start3A_227 = tpu.memref_slice %arg2[%dma_start3A_226, %multiple_of3A_214] : memref<16x1000000xf32, #tpu.memory_space<hbm>> -> memref<16x128xf32, #tpu.memory_space<hbm>>
    tpu.enqueue_dma source(%dma_start3A_227 : memref<16x128xf32, #tpu.memory_space<hbm>>) target(%dma_start3A_225 : memref<16x128xf32, #tpu.memory_space<vmem>>) target_semaphore(%arg8 : memref<!tpu.dma_semaphore, #tpu.memory_space<semaphore_mem>>)
    %slice3A_228 = vector.extract_strided_slice %shift_left3A_7 {offsets = [14], sizes = [1], strides = [1]} : vector<16xi32> to vector<1xi32>
    %squeeze3A_229 = vector.extract %slice3A_228[0] : i32 from vector<1xi32>
    %multiple_of3A_230 = tpu.assume_multiple %squeeze3A_229, 128 : i32
    %dma_start3A_231 = arith.constant 14 : i32
    %dma_start3A_232 = arith.constant 0 : i32
    %dma_start3A_233 = arith.constant 0 : i32
    %dma_start3A_234 = tpu.memref_slice %arg6[%dma_start3A_231, %dma_start3A_232, %dma_start3A_233] : memref<32x16x128xf32, #tpu.memory_space<vmem>> -> memref<1x16x128xf32, #tpu.memory_space<vmem>>
    %dma_start3A_235 = tpu.memref_squeeze %dma_start3A_234 : memref<1x16x128xf32, #tpu.memory_space<vmem>> -> memref<16x128xf32, #tpu.memory_space<vmem>>
    %dma_start3A_236 = arith.constant 0 : i32
    %dma_start3A_237 = tpu.memref_slice %arg2[%dma_start3A_236, %multiple_of3A_230] : memref<16x1000000xf32, #tpu.memory_space<hbm>> -> memref<16x128xf32, #tpu.memory_space<hbm>>
    %dma_start3A_238 = arith.constant 0 : i32
    %dma_start3A_239 = arith.constant 0 : i32
    %dma_start3A_240 = tpu.memref_slice %arg6[%dma_start3A_231, %dma_start3A_238, %dma_start3A_239] : memref<32x16x128xf32, #tpu.memory_space<vmem>> -> memref<1x16x128xf32, #tpu.memory_space<vmem>>
    %dma_start3A_241 = tpu.memref_squeeze %dma_start3A_240 : memref<1x16x128xf32, #tpu.memory_space<vmem>> -> memref<16x128xf32, #tpu.memory_space<vmem>>
    %dma_start3A_242 = arith.constant 0 : i32
    %dma_start3A_243 = tpu.memref_slice %arg2[%dma_start3A_242, %multiple_of3A_230] : memref<16x1000000xf32, #tpu.memory_space<hbm>> -> memref<16x128xf32, #tpu.memory_space<hbm>>
    tpu.enqueue_dma source(%dma_start3A_243 : memref<16x128xf32, #tpu.memory_space<hbm>>) target(%dma_start3A_241 : memref<16x128xf32, #tpu.memory_space<vmem>>) target_semaphore(%arg8 : memref<!tpu.dma_semaphore, #tpu.memory_space<semaphore_mem>>)
    %slice3A_244 = vector.extract_strided_slice %shift_left3A_7 {offsets = [15], sizes = [1], strides = [1]} : vector<16xi32> to vector<1xi32>
    %squeeze3A_245 = vector.extract %slice3A_244[0] : i32 from vector<1xi32>
    %multiple_of3A_246 = tpu.assume_multiple %squeeze3A_245, 128 : i32
    %dma_start3A_247 = arith.constant 15 : i32
    %dma_start3A_248 = arith.constant 0 : i32
    %dma_start3A_249 = arith.constant 0 : i32
    %dma_start3A_250 = tpu.memref_slice %arg6[%dma_start3A_247, %dma_start3A_248, %dma_start3A_249] : memref<32x16x128xf32, #tpu.memory_space<vmem>> -> memref<1x16x128xf32, #tpu.memory_space<vmem>>
    %dma_start3A_251 = tpu.memref_squeeze %dma_start3A_250 : memref<1x16x128xf32, #tpu.memory_space<vmem>> -> memref<16x128xf32, #tpu.memory_space<vmem>>
    %dma_start3A_252 = arith.constant 0 : i32
    %dma_start3A_253 = tpu.memref_slice %arg2[%dma_start3A_252, %multiple_of3A_246] : memref<16x1000000xf32, #tpu.memory_space<hbm>> -> memref<16x128xf32, #tpu.memory_space<hbm>>
    %dma_start3A_254 = arith.constant 0 : i32
    %dma_start3A_255 = arith.constant 0 : i32
    %dma_start3A_256 = tpu.memref_slice %arg6[%dma_start3A_247, %dma_start3A_254, %dma_start3A_255] : memref<32x16x128xf32, #tpu.memory_space<vmem>> -> memref<1x16x128xf32, #tpu.memory_space<vmem>>
    %dma_start3A_257 = tpu.memref_squeeze %dma_start3A_256 : memref<1x16x128xf32, #tpu.memory_space<vmem>> -> memref<16x128xf32, #tpu.memory_space<vmem>>
    %dma_start3A_258 = arith.constant 0 : i32
    %dma_start3A_259 = tpu.memref_slice %arg2[%dma_start3A_258, %multiple_of3A_246] : memref<16x1000000xf32, #tpu.memory_space<hbm>> -> memref<16x128xf32, #tpu.memory_space<hbm>>
    tpu.enqueue_dma source(%dma_start3A_259 : memref<16x128xf32, #tpu.memory_space<hbm>>) target(%dma_start3A_257 : memref<16x128xf32, #tpu.memory_space<vmem>>) target_semaphore(%arg8 : memref<!tpu.dma_semaphore, #tpu.memory_space<semaphore_mem>>)
    %get3A_260 = arith.constant 16 : index
    %get3A_261 = tpu.vector_load %arg5[%get3A_260] {strides = array<i32>} : memref<512xi32, #tpu.memory_space<vmem>>, vector<16xi32>,
    %shift_right_arithmetic3A_262 = arith.constant 7 : i32
    %shift_right_arithmetic3A_263 = vector.broadcast %shift_right_arithmetic3A_262 : i32 to vector<16xi32>
    %shift_right_arithmetic3A_264 = arith.shrsi %get3A_261, %shift_right_arithmetic3A_263 : vector<16xi32>
    %shift_left3A_265 = arith.constant 7 : i32
    %shift_left3A_266 = vector.broadcast %shift_left3A_265 : i32 to vector<16xi32>
    %shift_left3A_267 = arith.shli %shift_right_arithmetic3A_264, %shift_left3A_266 : vector<16xi32>
    %slice3A_268 = vector.extract_strided_slice %shift_left3A_267 {offsets = [0], sizes = [1], strides = [1]} : vector<16xi32> to vector<1xi32>
    %squeeze3A_269 = vector.extract %slice3A_268[0] : i32 from vector<1xi32>
    %multiple_of3A_270 = tpu.assume_multiple %squeeze3A_269, 128 : i32
    %dma_start3A_271 = arith.constant 16 : i32
    %dma_start3A_272 = arith.constant 0 : i32
    %dma_start3A_273 = arith.constant 0 : i32
    %dma_start3A_274 = tpu.memref_slice %arg6[%dma_start3A_271, %dma_start3A_272, %dma_start3A_273] : memref<32x16x128xf32, #tpu.memory_space<vmem>> -> memref<1x16x128xf32, #tpu.memory_space<vmem>>
    %dma_start3A_275 = tpu.memref_squeeze %dma_start3A_274 : memref<1x16x128xf32, #tpu.memory_space<vmem>> -> memref<16x128xf32, #tpu.memory_space<vmem>>
    %dma_start3A_276 = arith.constant 0 : i32
    %dma_start3A_277 = tpu.memref_slice %arg2[%dma_start3A_276, %multiple_of3A_270] : memref<16x1000000xf32, #tpu.memory_space<hbm>> -> memref<16x128xf32, #tpu.memory_space<hbm>>
    %dma_start3A_278 = arith.constant 0 : i32
    %dma_start3A_279 = arith.constant 0 : i32
    %dma_start3A_280 = tpu.memref_slice %arg6[%dma_start3A_271, %dma_start3A_278, %dma_start3A_279] : memref<32x16x128xf32, #tpu.memory_space<vmem>> -> memref<1x16x128xf32, #tpu.memory_space<vmem>>
    %dma_start3A_281 = tpu.memref_squeeze %dma_start3A_280 : memref<1x16x128xf32, #tpu.memory_space<vmem>> -> memref<16x128xf32, #tpu.memory_space<vmem>>
    %dma_start3A_282 = arith.constant 0 : i32
    %dma_start3A_283 = tpu.memref_slice %arg2[%dma_start3A_282, %multiple_of3A_270] : memref<16x1000000xf32, #tpu.memory_space<hbm>> -> memref<16x128xf32, #tpu.memory_space<hbm>>
    tpu.enqueue_dma source(%dma_start3A_283 : memref<16x128xf32, #tpu.memory_space<hbm>>) target(%dma_start3A_281 : memref<16x128xf32, #tpu.memory_space<vmem>>) target_semaphore(%arg8 : memref<!tpu.dma_semaphore, #tpu.memory_space<semaphore_mem>>)
    %slice3A_284 = vector.extract_strided_slice %shift_left3A_267 {offsets = [1], sizes = [1], strides = [1]} : vector<16xi32> to vector<1xi32>
    %squeeze3A_285 = vector.extract %slice3A_284[0] : i32 from vector<1xi32>
    %multiple_of3A_286 = tpu.assume_multiple %squeeze3A_285, 128 : i32
    %dma_start3A_287 = arith.constant 17 : i32
    %dma_start3A_288 = arith.constant 0 : i32
    %dma_start3A_289 = arith.constant 0 : i32
    %dma_start3A_290 = tpu.memref_slice %arg6[%dma_start3A_287, %dma_start3A_288, %dma_start3A_289] : memref<32x16x128xf32, #tpu.memory_space<vmem>> -> memref<1x16x128xf32, #tpu.memory_space<vmem>>
    %dma_start3A_291 = tpu.memref_squeeze %dma_start3A_290 : memref<1x16x128xf32, #tpu.memory_space<vmem>> -> memref<16x128xf32, #tpu.memory_space<vmem>>
    %dma_start3A_292 = arith.constant 0 : i32
    %dma_start3A_293 = tpu.memref_slice %arg2[%dma_start3A_292, %multiple_of3A_286] : memref<16x1000000xf32, #tpu.memory_space<hbm>> -> memref<16x128xf32, #tpu.memory_space<hbm>>
    %dma_start3A_294 = arith.constant 0 : i32
    %dma_start3A_295 = arith.constant 0 : i32
    %dma_start3A_296 = tpu.memref_slice %arg6[%dma_start3A_287, %dma_start3A_294, %dma_start3A_295] : memref<32x16x128xf32, #tpu.memory_space<vmem>> -> memref<1x16x128xf32, #tpu.memory_space<vmem>>
    %dma_start3A_297 = tpu.memref_squeeze %dma_start3A_296 : memref<1x16x128xf32, #tpu.memory_space<vmem>> -> memref<16x128xf32, #tpu.memory_space<vmem>>
    %dma_start3A_298 = arith.constant 0 : i32
    %dma_start3A_299 = tpu.memref_slice %arg2[%dma_start3A_298, %multiple_of3A_286] : memref<16x1000000xf32, #tpu.memory_space<hbm>> -> memref<16x128xf32, #tpu.memory_space<hbm>>
    tpu.enqueue_dma source(%dma_start3A_299 : memref<16x128xf32, #tpu.memory_space<hbm>>) target(%dma_start3A_297 : memref<16x128xf32, #tpu.memory_space<vmem>>) target_semaphore(%arg8 : memref<!tpu.dma_semaphore, #tpu.memory_space<semaphore_mem>>)
    %slice3A_300 = vector.extract_strided_slice %shift_left3A_267 {offsets = [2], sizes = [1], strides = [1]} : vector<16xi32> to vector<1xi32>
    %squeeze3A_301 = vector.extract %slice3A_300[0] : i32 from vector<1xi32>
    %multiple_of3A_302 = tpu.assume_multiple %squeeze3A_301, 128 : i32
    %dma_start3A_303 = arith.constant 18 : i32
    %dma_start3A_304 = arith.constant 0 : i32
    %dma_start3A_305 = arith.constant 0 : i32
    %dma_start3A_306 = tpu.memref_slice %arg6[%dma_start3A_303, %dma_start3A_304, %dma_start3A_305] : memref<32x16x128xf32, #tpu.memory_space<vmem>> -> memref<1x16x128xf32, #tpu.memory_space<vmem>>
    %dma_start3A_307 = tpu.memref_squeeze %dma_start3A_306 : memref<1x16x128xf32, #tpu.memory_space<vmem>> -> memref<16x128xf32, #tpu.memory_space<vmem>>
    %dma_start3A_308 = arith.constant 0 : i32
    %dma_start3A_309 = tpu.memref_slice %arg2[%dma_start3A_308, %multiple_of3A_302] : memref<16x1000000xf32, #tpu.memory_space<hbm>> -> memref<16x128xf32, #tpu.memory_space<hbm>>
    %dma_start3A_310 = arith.constant 0 : i32
    %dma_start3A_311 = arith.constant 0 : i32
    %dma_start3A_312 = tpu.memref_slice %arg6[%dma_start3A_303, %dma_start3A_310, %dma_start3A_311] : memref<32x16x128xf32, #tpu.memory_space<vmem>> -> memref<1x16x128xf32, #tpu.memory_space<vmem>>
    %dma_start3A_313 = tpu.memref_squeeze %dma_start3A_312 : memref<1x16x128xf32, #tpu.memory_space<vmem>> -> memref<16x128xf32, #tpu.memory_space<vmem>>
    %dma_start3A_314 = arith.constant 0 : i32
    %dma_start3A_315 = tpu.memref_slice %arg2[%dma_start3A_314, %multiple_of3A_302] : memref<16x1000000xf32, #tpu.memory_space<hbm>> -> memref<16x128xf32, #tpu.memory_space<hbm>>
    tpu.enqueue_dma source(%dma_start3A_315 : memref<16x128xf32, #tpu.memory_space<hbm>>) target(%dma_start3A_313 : memref<16x128xf32, #tpu.memory_space<vmem>>) target_semaphore(%arg8 : memref<!tpu.dma_semaphore, #tpu.memory_space<semaphore_mem>>)
    %slice3A_316 = vector.extract_strided_slice %shift_left3A_267 {offsets = [3], sizes = [1], strides = [1]} : vector<16xi32> to vector<1xi32>
    %squeeze3A_317 = vector.extract %slice3A_316[0] : i32 from vector<1xi32>
    %multiple_of3A_318 = tpu.assume_multiple %squeeze3A_317, 128 : i32
    %dma_start3A_319 = arith.constant 19 : i32
    %dma_start3A_320 = arith.constant 0 : i32
    %dma_start3A_321 = arith.constant 0 : i32
    %dma_start3A_322 = tpu.memref_slice %arg6[%dma_start3A_319, %dma_start3A_320, %dma_start3A_321] : memref<32x16x128xf32, #tpu.memory_space<vmem>> -> memref<1x16x128xf32, #tpu.memory_space<vmem>>
    %dma_start3A_323 = tpu.memref_squeeze %dma_start3A_322 : memref<1x16x128xf32, #tpu.memory_space<vmem>> -> memref<16x128xf32, #tpu.memory_space<vmem>>
    %dma_start3A_324 = arith.constant 0 : i32
    %dma_start3A_325 = tpu.memref_slice %arg2[%dma_start3A_324, %multiple_of3A_318] : memref<16x1000000xf32, #tpu.memory_space<hbm>> -> memref<16x128xf32, #tpu.memory_space<hbm>>
    %dma_start3A_326 = arith.constant 0 : i32
    %dma_start3A_327 = arith.constant 0 : i32
    %dma_start3A_328 = tpu.memref_slice %arg6[%dma_start3A_319, %dma_start3A_326, %dma_start3A_327] : memref<32x16x128xf32, #tpu.memory_space<vmem>> -> memref<1x16x128xf32, #tpu.memory_space<vmem>>
    %dma_start3A_329 = tpu.memref_squeeze %dma_start3A_328 : memref<1x16x128xf32, #tpu.memory_space<vmem>> -> memref<16x128xf32, #tpu.memory_space<vmem>>
    %dma_start3A_330 = arith.constant 0 : i32
    %dma_start3A_331 = tpu.memref_slice %arg2[%dma_start3A_330, %multiple_of3A_318] : memref<16x1000000xf32, #tpu.memory_space<hbm>> -> memref<16x128xf32, #tpu.memory_space<hbm>>
    tpu.enqueue_dma source(%dma_start3A_331 : memref<16x128xf32, #tpu.memory_space<hbm>>) target(%dma_start3A_329 : memref<16x128xf32, #tpu.memory_space<vmem>>) target_semaphore(%arg8 : memref<!tpu.dma_semaphore, #tpu.memory_space<semaphore_mem>>)
    %slice3A_332 = vector.extract_strided_slice %shift_left3A_267 {offsets = [4], sizes = [1], strides = [1]} : vector<16xi32> to vector<1xi32>
    %squeeze3A_333 = vector.extract %slice3A_332[0] : i32 from vector<1xi32>
    %multiple_of3A_334 = tpu.assume_multiple %squeeze3A_333, 128 : i32
    %dma_start3A_335 = arith.constant 20 : i32
    %dma_start3A_336 = arith.constant 0 : i32
    %dma_start3A_337 = arith.constant 0 : i32
    %dma_start3A_338 = tpu.memref_slice %arg6[%dma_start3A_335, %dma_start3A_336, %dma_start3A_337] : memref<32x16x128xf32, #tpu.memory_space<vmem>> -> memref<1x16x128xf32, #tpu.memory_space<vmem>>
    %dma_start3A_339 = tpu.memref_squeeze %dma_start3A_338 : memref<1x16x128xf32, #tpu.memory_space<vmem>> -> memref<16x128xf32, #tpu.memory_space<vmem>>
    %dma_start3A_340 = arith.constant 0 : i32
    %dma_start3A_341 = tpu.memref_slice %arg2[%dma_start3A_340, %multiple_of3A_334] : memref<16x1000000xf32, #tpu.memory_space<hbm>> -> memref<16x128xf32, #tpu.memory_space<hbm>>
    %dma_start3A_342 = arith.constant 0 : i32
    %dma_start3A_343 = arith.constant 0 : i32
    %dma_start3A_344 = tpu.memref_slice %arg6[%dma_start3A_335, %dma_start3A_342, %dma_start3A_343] : memref<32x16x128xf32, #tpu.memory_space<vmem>> -> memref<1x16x128xf32, #tpu.memory_space<vmem>>
    %dma_start3A_345 = tpu.memref_squeeze %dma_start3A_344 : memref<1x16x128xf32, #tpu.memory_space<vmem>> -> memref<16x128xf32, #tpu.memory_space<vmem>>
    %dma_start3A_346 = arith.constant 0 : i32
    %dma_start3A_347 = tpu.memref_slice %arg2[%dma_start3A_346, %multiple_of3A_334] : memref<16x1000000xf32, #tpu.memory_space<hbm>> -> memref<16x128xf32, #tpu.memory_space<hbm>>
    tpu.enqueue_dma source(%dma_start3A_347 : memref<16x128xf32, #tpu.memory_space<hbm>>) target(%dma_start3A_345 : memref<16x128xf32, #tpu.memory_space<vmem>>) target_semaphore(%arg8 : memref<!tpu.dma_semaphore, #tpu.memory_space<semaphore_mem>>)
    %slice3A_348 = vector.extract_strided_slice %shift_left3A_267 {offsets = [5], sizes = [1], strides = [1]} : vector<16xi32> to vector<1xi32>
    %squeeze3A_349 = vector.extract %slice3A_348[0] : i32 from vector<1xi32>
    %multiple_of3A_350 = tpu.assume_multiple %squeeze3A_349, 128 : i32
    %dma_start3A_351 = arith.constant 21 : i32
    %dma_start3A_352 = arith.constant 0 : i32
    %dma_start3A_353 = arith.constant 0 : i32
    %dma_start3A_354 = tpu.memref_slice %arg6[%dma_start3A_351, %dma_start3A_352, %dma_start3A_353] : memref<32x16x128xf32, #tpu.memory_space<vmem>> -> memref<1x16x128xf32, #tpu.memory_space<vmem>>
    %dma_start3A_355 = tpu.memref_squeeze %dma_start3A_354 : memref<1x16x128xf32, #tpu.memory_space<vmem>> -> memref<16x128xf32, #tpu.memory_space<vmem>>
    %dma_start3A_356 = arith.constant 0 : i32
    %dma_start3A_357 = tpu.memref_slice %arg2[%dma_start3A_356, %multiple_of3A_350] : memref<16x1000000xf32, #tpu.memory_space<hbm>> -> memref<16x128xf32, #tpu.memory_space<hbm>>
    %dma_start3A_358 = arith.constant 0 : i32
    %dma_start3A_359 = arith.constant 0 : i32
    %dma_start3A_360 = tpu.memref_slice %arg6[%dma_start3A_351, %dma_start3A_358, %dma_start3A_359] : memref<32x16x128xf32, #tpu.memory_space<vmem>> -> memref<1x16x128xf32, #tpu.memory_space<vmem>>
    %dma_start3A_361 = tpu.memref_squeeze %dma_start3A_360 : memref<1x16x128xf32, #tpu.memory_space<vmem>> -> memref<16x128xf32, #tpu.memory_space<vmem>>
    %dma_start3A_362 = arith.constant 0 : i32
    %dma_start3A_363 = tpu.memref_slice %arg2[%dma_start3A_362, %multiple_of3A_350] : memref<16x1000000xf32, #tpu.memory_space<hbm>> -> memref<16x128xf32, #tpu.memory_space<hbm>>
    tpu.enqueue_dma source(%dma_start3A_363 : memref<16x128xf32, #tpu.memory_space<hbm>>) target(%dma_start3A_361 : memref<16x128xf32, #tpu.memory_space<vmem>>) target_semaphore(%arg8 : memref<!tpu.dma_semaphore, #tpu.memory_space<semaphore_mem>>)
    %slice3A_364 = vector.extract_strided_slice %shift_left3A_267 {offsets = [6], sizes = [1], strides = [1]} : vector<16xi32> to vector<1xi32>
    %squeeze3A_365 = vector.extract %slice3A_364[0] : i32 from vector<1xi32>
    %multiple_of3A_366 = tpu.assume_multiple %squeeze3A_365, 128 : i32
    %dma_start3A_367 = arith.constant 22 : i32
    %dma_start3A_368 = arith.constant 0 : i32
    %dma_start3A_369 = arith.constant 0 : i32
    %dma_start3A_370 = tpu.memref_slice %arg6[%dma_start3A_367, %dma_start3A_368, %dma_start3A_369] : memref<32x16x128xf32, #tpu.memory_space<vmem>> -> memref<1x16x128xf32, #tpu.memory_space<vmem>>
    %dma_start3A_371 = tpu.memref_squeeze %dma_start3A_370 : memref<1x16x128xf32, #tpu.memory_space<vmem>> -> memref<16x128xf32, #tpu.memory_space<vmem>>
    %dma_start3A_372 = arith.constant 0 : i32
    %dma_start3A_373 = tpu.memref_slice %arg2[%dma_start3A_372, %multiple_of3A_366] : memref<16x1000000xf32, #tpu.memory_space<hbm>> -> memref<16x128xf32, #tpu.memory_space<hbm>>
    %dma_start3A_374 = arith.constant 0 : i32
    %dma_start3A_375 = arith.constant 0 : i32
    %dma_start3A_376 = tpu.memref_slice %arg6[%dma_start3A_367, %dma_start3A_374, %dma_start3A_375] : memref<32x16x128xf32, #tpu.memory_space<vmem>> -> memref<1x16x128xf32, #tpu.memory_space<vmem>>
    %dma_start3A_377 = tpu.memref_squeeze %dma_start3A_376 : memref<1x16x128xf32, #tpu.memory_space<vmem>> -> memref<16x128xf32, #tpu.memory_space<vmem>>
    %dma_start3A_378 = arith.constant 0 : i32
    %dma_start3A_379 = tpu.memref_slice %arg2[%dma_start3A_378, %multiple_of3A_366] : memref<16x1000000xf32, #tpu.memory_space<hbm>> -> memref<16x128xf32, #tpu.memory_space<hbm>>
    tpu.enqueue_dma source(%dma_start3A_379 : memref<16x128xf32, #tpu.memory_space<hbm>>) target(%dma_start3A_377 : memref<16x128xf32, #tpu.memory_space<vmem>>) target_semaphore(%arg8 : memref<!tpu.dma_semaphore, #tpu.memory_space<semaphore_mem>>)
    %slice3A_380 = vector.extract_strided_slice %shift_left3A_267 {offsets = [7], sizes = [1], strides = [1]} : vector<16xi32> to vector<1xi32>
    %squeeze3A_381 = vector.extract %slice3A_380[0] : i32 from vector<1xi32>
    %multiple_of3A_382 = tpu.assume_multiple %squeeze3A_381, 128 : i32
    %dma_start3A_383 = arith.constant 23 : i32
    %dma_start3A_384 = arith.constant 0 : i32
    %dma_start3A_385 = arith.constant 0 : i32
    %dma_start3A_386 = tpu.memref_slice %arg6[%dma_start3A_383, %dma_start3A_384, %dma_start3A_385] : memref<32x16x128xf32, #tpu.memory_space<vmem>> -> memref<1x16x128xf32, #tpu.memory_space<vmem>>
    %dma_start3A_387 = tpu.memref_squeeze %dma_start3A_386 : memref<1x16x128xf32, #tpu.memory_space<vmem>> -> memref<16x128xf32, #tpu.memory_space<vmem>>
    %dma_start3A_388 = arith.constant 0 : i32
    %dma_start3A_389 = tpu.memref_slice %arg2[%dma_start3A_388, %multiple_of3A_382] : memref<16x1000000xf32, #tpu.memory_space<hbm>> -> memref<16x128xf32, #tpu.memory_space<hbm>>
    %dma_start3A_390 = arith.constant 0 : i32
    %dma_start3A_391 = arith.constant 0 : i32
    %dma_start3A_392 = tpu.memref_slice %arg6[%dma_start3A_383, %dma_start3A_390, %dma_start3A_391] : memref<32x16x128xf32, #tpu.memory_space<vmem>> -> memref<1x16x128xf32, #tpu.memory_space<vmem>>
    %dma_start3A_393 = tpu.memref_squeeze %dma_start3A_392 : memref<1x16x128xf32, #tpu.memory_space<vmem>> -> memref<16x128xf32, #tpu.memory_space<vmem>>
    %dma_start3A_394 = arith.constant 0 : i32
    %dma_start3A_395 = tpu.memref_slice %arg2[%dma_start3A_394, %multiple_of3A_382] : memref<16x1000000xf32, #tpu.memory_space<hbm>> -> memref<16x128xf32, #tpu.memory_space<hbm>>
    tpu.enqueue_dma source(%dma_start3A_395 : memref<16x128xf32, #tpu.memory_space<hbm>>) target(%dma_start3A_393 : memref<16x128xf32, #tpu.memory_space<vmem>>) target_semaphore(%arg8 : memref<!tpu.dma_semaphore, #tpu.memory_space<semaphore_mem>>)
    %slice3A_396 = vector.extract_strided_slice %shift_left3A_267 {offsets = [8], sizes = [1], strides = [1]} : vector<16xi32> to vector<1xi32>
    %squeeze3A_397 = vector.extract %slice3A_396[0] : i32 from vector<1xi32>
    %multiple_of3A_398 = tpu.assume_multiple %squeeze3A_397, 128 : i32
    %dma_start3A_399 = arith.constant 24 : i32
    %dma_start3A_400 = arith.constant 0 : i32
    %dma_start3A_401 = arith.constant 0 : i32
    %dma_start3A_402 = tpu.memref_slice %arg6[%dma_start3A_399, %dma_start3A_400, %dma_start3A_401] : memref<32x16x128xf32, #tpu.memory_space<vmem>> -> memref<1x16x128xf32, #tpu.memory_space<vmem>>
    %dma_start3A_403 = tpu.memref_squeeze %dma_start3A_402 : memref<1x16x128xf32, #tpu.memory_space<vmem>> -> memref<16x128xf32, #tpu.memory_space<vmem>>
    %dma_start3A_404 = arith.constant 0 : i32
    %dma_start3A_405 = tpu.memref_slice %arg2[%dma_start3A_404, %multiple_of3A_398] : memref<16x1000000xf32, #tpu.memory_space<hbm>> -> memref<16x128xf32, #tpu.memory_space<hbm>>
    %dma_start3A_406 = arith.constant 0 : i32
    %dma_start3A_407 = arith.constant 0 : i32
    %dma_start3A_408 = tpu.memref_slice %arg6[%dma_start3A_399, %dma_start3A_406, %dma_start3A_407] : memref<32x16x128xf32, #tpu.memory_space<vmem>> -> memref<1x16x128xf32, #tpu.memory_space<vmem>>
    %dma_start3A_409 = tpu.memref_squeeze %dma_start3A_408 : memref<1x16x128xf32, #tpu.memory_space<vmem>> -> memref<16x128xf32, #tpu.memory_space<vmem>>
    %dma_start3A_410 = arith.constant 0 : i32
    %dma_start3A_411 = tpu.memref_slice %arg2[%dma_start3A_410, %multiple_of3A_398] : memref<16x1000000xf32, #tpu.memory_space<hbm>> -> memref<16x128xf32, #tpu.memory_space<hbm>>
    tpu.enqueue_dma source(%dma_start3A_411 : memref<16x128xf32, #tpu.memory_space<hbm>>) target(%dma_start3A_409 : memref<16x128xf32, #tpu.memory_space<vmem>>) target_semaphore(%arg8 : memref<!tpu.dma_semaphore, #tpu.memory_space<semaphore_mem>>)
    %slice3A_412 = vector.extract_strided_slice %shift_left3A_267 {offsets = [9], sizes = [1], strides = [1]} : vector<16xi32> to vector<1xi32>
    %squeeze3A_413 = vector.extract %slice3A_412[0] : i32 from vector<1xi32>
    %multiple_of3A_414 = tpu.assume_multiple %squeeze3A_413, 128 : i32
    %dma_start3A_415 = arith.constant 25 : i32
    %dma_start3A_416 = arith.constant 0 : i32
    %dma_start3A_417 = arith.constant 0 : i32
    %dma_start3A_418 = tpu.memref_slice %arg6[%dma_start3A_415, %dma_start3A_416, %dma_start3A_417] : memref<32x16x128xf32, #tpu.memory_space<vmem>> -> memref<1x16x128xf32, #tpu.memory_space<vmem>>
    %dma_start3A_419 = tpu.memref_squeeze %dma_start3A_418 : memref<1x16x128xf32, #tpu.memory_space<vmem>> -> memref<16x128xf32, #tpu.memory_space<vmem>>
    %dma_start3A_420 = arith.constant 0 : i32
    %dma_start3A_421 = tpu.memref_slice %arg2[%dma_start3A_420, %multiple_of3A_414] : memref<16x1000000xf32, #tpu.memory_space<hbm>> -> memref<16x128xf32, #tpu.memory_space<hbm>>
    %dma_start3A_422 = arith.constant 0 : i32
    %dma_start3A_423 = arith.constant 0 : i32
    %dma_start3A_424 = tpu.memref_slice %arg6[%dma_start3A_415, %dma_start3A_422, %dma_start3A_423] : memref<32x16x128xf32, #tpu.memory_space<vmem>> -> memref<1x16x128xf32, #tpu.memory_space<vmem>>
    %dma_start3A_425 = tpu.memref_squeeze %dma_start3A_424 : memref<1x16x128xf32, #tpu.memory_space<vmem>> -> memref<16x128xf32, #tpu.memory_space<vmem>>
    %dma_start3A_426 = arith.constant 0 : i32
    %dma_start3A_427 = tpu.memref_slice %arg2[%dma_start3A_426, %multiple_of3A_414] : memref<16x1000000xf32, #tpu.memory_space<hbm>> -> memref<16x128xf32, #tpu.memory_space<hbm>>
    tpu.enqueue_dma source(%dma_start3A_427 : memref<16x128xf32, #tpu.memory_space<hbm>>) target(%dma_start3A_425 : memref<16x128xf32, #tpu.memory_space<vmem>>) target_semaphore(%arg8 : memref<!tpu.dma_semaphore, #tpu.memory_space<semaphore_mem>>)
    %slice3A_428 = vector.extract_strided_slice %shift_left3A_267 {offsets = [10], sizes = [1], strides = [1]} : vector<16xi32> to vector<1xi32>
    %squeeze3A_429 = vector.extract %slice3A_428[0] : i32 from vector<1xi32>
    %multiple_of3A_430 = tpu.assume_multiple %squeeze3A_429, 128 : i32
    %dma_start3A_431 = arith.constant 26 : i32
    %dma_start3A_432 = arith.constant 0 : i32
    %dma_start3A_433 = arith.constant 0 : i32
    %dma_start3A_434 = tpu.memref_slice %arg6[%dma_start3A_431, %dma_start3A_432, %dma_start3A_433] : memref<32x16x128xf32, #tpu.memory_space<vmem>> -> memref<1x16x128xf32, #tpu.memory_space<vmem>>
    %dma_start3A_435 = tpu.memref_squeeze %dma_start3A_434 : memref<1x16x128xf32, #tpu.memory_space<vmem>> -> memref<16x128xf32, #tpu.memory_space<vmem>>
    %dma_start3A_436 = arith.constant 0 : i32
    %dma_start3A_437 = tpu.memref_slice %arg2[%dma_start3A_436, %multiple_of3A_430] : memref<16x1000000xf32, #tpu.memory_space<hbm>> -> memref<16x128xf32, #tpu.memory_space<hbm>>
    %dma_start3A_438 = arith.constant 0 : i32
    %dma_start3A_439 = arith.constant 0 : i32
    %dma_start3A_440 = tpu.memref_slice %arg6[%dma_start3A_431, %dma_start3A_438, %dma_start3A_439] : memref<32x16x128xf32, #tpu.memory_space<vmem>> -> memref<1x16x128xf32, #tpu.memory_space<vmem>>
    %dma_start3A_441 = tpu.memref_squeeze %dma_start3A_440 : memref<1x16x128xf32, #tpu.memory_space<vmem>> -> memref<16x128xf32, #tpu.memory_space<vmem>>
    %dma_start3A_442 = arith.constant 0 : i32
    %dma_start3A_443 = tpu.memref_slice %arg2[%dma_start3A_442, %multiple_of3A_430] : memref<16x1000000xf32, #tpu.memory_space<hbm>> -> memref<16x128xf32, #tpu.memory_space<hbm>>
    tpu.enqueue_dma source(%dma_start3A_443 : memref<16x128xf32, #tpu.memory_space<hbm>>) target(%dma_start3A_441 : memref<16x128xf32, #tpu.memory_space<vmem>>) target_semaphore(%arg8 : memref<!tpu.dma_semaphore, #tpu.memory_space<semaphore_mem>>)
    %slice3A_444 = vector.extract_strided_slice %shift_left3A_267 {offsets = [11], sizes = [1], strides = [1]} : vector<16xi32> to vector<1xi32>
    %squeeze3A_445 = vector.extract %slice3A_444[0] : i32 from vector<1xi32>
    %multiple_of3A_446 = tpu.assume_multiple %squeeze3A_445, 128 : i32
    %dma_start3A_447 = arith.constant 27 : i32
    %dma_start3A_448 = arith.constant 0 : i32
    %dma_start3A_449 = arith.constant 0 : i32
    %dma_start3A_450 = tpu.memref_slice %arg6[%dma_start3A_447, %dma_start3A_448, %dma_start3A_449] : memref<32x16x128xf32, #tpu.memory_space<vmem>> -> memref<1x16x128xf32, #tpu.memory_space<vmem>>
    %dma_start3A_451 = tpu.memref_squeeze %dma_start3A_450 : memref<1x16x128xf32, #tpu.memory_space<vmem>> -> memref<16x128xf32, #tpu.memory_space<vmem>>
    %dma_start3A_452 = arith.constant 0 : i32
    %dma_start3A_453 = tpu.memref_slice %arg2[%dma_start3A_452, %multiple_of3A_446] : memref<16x1000000xf32, #tpu.memory_space<hbm>> -> memref<16x128xf32, #tpu.memory_space<hbm>>
    %dma_start3A_454 = arith.constant 0 : i32
    %dma_start3A_455 = arith.constant 0 : i32
    %dma_start3A_456 = tpu.memref_slice %arg6[%dma_start3A_447, %dma_start3A_454, %dma_start3A_455] : memref<32x16x128xf32, #tpu.memory_space<vmem>> -> memref<1x16x128xf32, #tpu.memory_space<vmem>>
    %dma_start3A_457 = tpu.memref_squeeze %dma_start3A_456 : memref<1x16x128xf32, #tpu.memory_space<vmem>> -> memref<16x128xf32, #tpu.memory_space<vmem>>
    %dma_start3A_458 = arith.constant 0 : i32
    %dma_start3A_459 = tpu.memref_slice %arg2[%dma_start3A_458, %multiple_of3A_446] : memref<16x1000000xf32, #tpu.memory_space<hbm>> -> memref<16x128xf32, #tpu.memory_space<hbm>>
    tpu.enqueue_dma source(%dma_start3A_459 : memref<16x128xf32, #tpu.memory_space<hbm>>) target(%dma_start3A_457 : memref<16x128xf32, #tpu.memory_space<vmem>>) target_semaphore(%arg8 : memref<!tpu.dma_semaphore, #tpu.memory_space<semaphore_mem>>)
    %slice3A_460 = vector.extract_strided_slice %shift_left3A_267 {offsets = [12], sizes = [1], strides = [1]} : vector<16xi32> to vector<1xi32>
    %squeeze3A_461 = vector.extract %slice3A_460[0] : i32 from vector<1xi32>
    %multiple_of3A_462 = tpu.assume_multiple %squeeze3A_461, 128 : i32
    %dma_start3A_463 = arith.constant 28 : i32
    %dma_start3A_464 = arith.constant 0 : i32
    %dma_start3A_465 = arith.constant 0 : i32
    %dma_start3A_466 = tpu.memref_slice %arg6[%dma_start3A_463, %dma_start3A_464, %dma_start3A_465] : memref<32x16x128xf32, #tpu.memory_space<vmem>> -> memref<1x16x128xf32, #tpu.memory_space<vmem>>
    %dma_start3A_467 = tpu.memref_squeeze %dma_start3A_466 : memref<1x16x128xf32, #tpu.memory_space<vmem>> -> memref<16x128xf32, #tpu.memory_space<vmem>>
    %dma_start3A_468 = arith.constant 0 : i32
    %dma_start3A_469 = tpu.memref_slice %arg2[%dma_start3A_468, %multiple_of3A_462] : memref<16x1000000xf32, #tpu.memory_space<hbm>> -> memref<16x128xf32, #tpu.memory_space<hbm>>
    %dma_start3A_470 = arith.constant 0 : i32
    %dma_start3A_471 = arith.constant 0 : i32
    %dma_start3A_472 = tpu.memref_slice %arg6[%dma_start3A_463, %dma_start3A_470, %dma_start3A_471] : memref<32x16x128xf32, #tpu.memory_space<vmem>> -> memref<1x16x128xf32, #tpu.memory_space<vmem>>
    %dma_start3A_473 = tpu.memref_squeeze %dma_start3A_472 : memref<1x16x128xf32, #tpu.memory_space<vmem>> -> memref<16x128xf32, #tpu.memory_space<vmem>>
    %dma_start3A_474 = arith.constant 0 : i32
    %dma_start3A_475 = tpu.memref_slice %arg2[%dma_start3A_474, %multiple_of3A_462] : memref<16x1000000xf32, #tpu.memory_space<hbm>> -> memref<16x128xf32, #tpu.memory_space<hbm>>
    tpu.enqueue_dma source(%dma_start3A_475 : memref<16x128xf32, #tpu.memory_space<hbm>>) target(%dma_start3A_473 : memref<16x128xf32, #tpu.memory_space<vmem>>) target_semaphore(%arg8 : memref<!tpu.dma_semaphore, #tpu.memory_space<semaphore_mem>>)
    %slice3A_476 = vector.extract_strided_slice %shift_left3A_267 {offsets = [13], sizes = [1], strides = [1]} : vector<16xi32> to vector<1xi32>
    %squeeze3A_477 = vector.extract %slice3A_476[0] : i32 from vector<1xi32>
    %multiple_of3A_478 = tpu.assume_multiple %squeeze3A_477, 128 : i32
    %dma_start3A_479 = arith.constant 29 : i32
    %dma_start3A_480 = arith.constant 0 : i32
    %dma_start3A_481 = arith.constant 0 : i32
    %dma_start3A_482 = tpu.memref_slice %arg6[%dma_start3A_479, %dma_start3A_480, %dma_start3A_481] : memref<32x16x128xf32, #tpu.memory_space<vmem>> -> memref<1x16x128xf32, #tpu.memory_space<vmem>>
    %dma_start3A_483 = tpu.memref_squeeze %dma_start3A_482 : memref<1x16x128xf32, #tpu.memory_space<vmem>> -> memref<16x128xf32, #tpu.memory_space<vmem>>
    %dma_start3A_484 = arith.constant 0 : i32
    %dma_start3A_485 = tpu.memref_slice %arg2[%dma_start3A_484, %multiple_of3A_478] : memref<16x1000000xf32, #tpu.memory_space<hbm>> -> memref<16x128xf32, #tpu.memory_space<hbm>>
    %dma_start3A_486 = arith.constant 0 : i32
    %dma_start3A_487 = arith.constant 0 : i32
    %dma_start3A_488 = tpu.memref_slice %arg6[%dma_start3A_479, %dma_start3A_486, %dma_start3A_487] : memref<32x16x128xf32, #tpu.memory_space<vmem>> -> memref<1x16x128xf32, #tpu.memory_space<vmem>>
    %dma_start3A_489 = tpu.memref_squeeze %dma_start3A_488 : memref<1x16x128xf32, #tpu.memory_space<vmem>> -> memref<16x128xf32, #tpu.memory_space<vmem>>
    %dma_start3A_490 = arith.constant 0 : i32
    %dma_start3A_491 = tpu.memref_slice %arg2[%dma_start3A_490, %multiple_of3A_478] : memref<16x1000000xf32, #tpu.memory_space<hbm>> -> memref<16x128xf32, #tpu.memory_space<hbm>>
    tpu.enqueue_dma source(%dma_start3A_491 : memref<16x128xf32, #tpu.memory_space<hbm>>) target(%dma_start3A_489 : memref<16x128xf32, #tpu.memory_space<vmem>>) target_semaphore(%arg8 : memref<!tpu.dma_semaphore, #tpu.memory_space<semaphore_mem>>)
    %slice3A_492 = vector.extract_strided_slice %shift_left3A_267 {offsets = [14], sizes = [1], strides = [1]} : vector<16xi32> to vector<1xi32>
    %squeeze3A_493 = vector.extract %slice3A_492[0] : i32 from vector<1xi32>
    %multiple_of3A_494 = tpu.assume_multiple %squeeze3A_493, 128 : i32
    %dma_start3A_495 = arith.constant 30 : i32
    %dma_start3A_496 = arith.constant 0 : i32
    %dma_start3A_497 = arith.constant 0 : i32
    %dma_start3A_498 = tpu.memref_slice %arg6[%dma_start3A_495, %dma_start3A_496, %dma_start3A_497] : memref<32x16x128xf32, #tpu.memory_space<vmem>> -> memref<1x16x128xf32, #tpu.memory_space<vmem>>
    %dma_start3A_499 = tpu.memref_squeeze %dma_start3A_498 : memref<1x16x128xf32, #tpu.memory_space<vmem>> -> memref<16x128xf32, #tpu.memory_space<vmem>>
    %dma_start3A_500 = arith.constant 0 : i32
    %dma_start3A_501 = tpu.memref_slice %arg2[%dma_start3A_500, %multiple_of3A_494] : memref<16x1000000xf32, #tpu.memory_space<hbm>> -> memref<16x128xf32, #tpu.memory_space<hbm>>
    %dma_start3A_502 = arith.constant 0 : i32
    %dma_start3A_503 = arith.constant 0 : i32
    %dma_start3A_504 = tpu.memref_slice %arg6[%dma_start3A_495, %dma_start3A_502, %dma_start3A_503] : memref<32x16x128xf32, #tpu.memory_space<vmem>> -> memref<1x16x128xf32, #tpu.memory_space<vmem>>
    %dma_start3A_505 = tpu.memref_squeeze %dma_start3A_504 : memref<1x16x128xf32, #tpu.memory_space<vmem>> -> memref<16x128xf32, #tpu.memory_space<vmem>>
    %dma_start3A_506 = arith.constant 0 : i32
    %dma_start3A_507 = tpu.memref_slice %arg2[%dma_start3A_506, %multiple_of3A_494] : memref<16x1000000xf32, #tpu.memory_space<hbm>> -> memref<16x128xf32, #tpu.memory_space<hbm>>
    tpu.enqueue_dma source(%dma_start3A_507 : memref<16x128xf32, #tpu.memory_space<hbm>>) target(%dma_start3A_505 : memref<16x128xf32, #tpu.memory_space<vmem>>) target_semaphore(%arg8 : memref<!tpu.dma_semaphore, #tpu.memory_space<semaphore_mem>>)
    %slice3A_508 = vector.extract_strided_slice %shift_left3A_267 {offsets = [15], sizes = [1], strides = [1]} : vector<16xi32> to vector<1xi32>
    %squeeze3A_509 = vector.extract %slice3A_508[0] : i32 from vector<1xi32>
    %multiple_of3A_510 = tpu.assume_multiple %squeeze3A_509, 128 : i32
    %dma_start3A_511 = arith.constant 31 : i32
    %dma_start3A_512 = arith.constant 0 : i32
    %dma_start3A_513 = arith.constant 0 : i32
    %dma_start3A_514 = tpu.memref_slice %arg6[%dma_start3A_511, %dma_start3A_512, %dma_start3A_513] : memref<32x16x128xf32, #tpu.memory_space<vmem>> -> memref<1x16x128xf32, #tpu.memory_space<vmem>>
    %dma_start3A_515 = tpu.memref_squeeze %dma_start3A_514 : memref<1x16x128xf32, #tpu.memory_space<vmem>> -> memref<16x128xf32, #tpu.memory_space<vmem>>
    %dma_start3A_516 = arith.constant 0 : i32
    %dma_start3A_517 = tpu.memref_slice %arg2[%dma_start3A_516, %multiple_of3A_510] : memref<16x1000000xf32, #tpu.memory_space<hbm>> -> memref<16x128xf32, #tpu.memory_space<hbm>>
    %dma_start3A_518 = arith.constant 0 : i32
    %dma_start3A_519 = arith.constant 0 : i32
    %dma_start3A_520 = tpu.memref_slice %arg6[%dma_start3A_511, %dma_start3A_518, %dma_start3A_519] : memref<32x16x128xf32, #tpu.memory_space<vmem>> -> memref<1x16x128xf32, #tpu.memory_space<vmem>>
    %dma_start3A_521 = tpu.memref_squeeze %dma_start3A_520 : memref<1x16x128xf32, #tpu.memory_space<vmem>> -> memref<16x128xf32, #tpu.memory_space<vmem>>
    %dma_start3A_522 = arith.constant 0 : i32
    %dma_start3A_523 = tpu.memref_slice %arg2[%dma_start3A_522, %multiple_of3A_510] : memref<16x1000000xf32, #tpu.memory_space<hbm>> -> memref<16x128xf32, #tpu.memory_space<hbm>>
    tpu.enqueue_dma source(%dma_start3A_523 : memref<16x128xf32, #tpu.memory_space<hbm>>) target(%dma_start3A_521 : memref<16x128xf32, #tpu.memory_space<vmem>>) target_semaphore(%arg8 : memref<!tpu.dma_semaphore, #tpu.memory_space<semaphore_mem>>)
    %scan3A = arith.constant 0 : i32
    %scan3A_524 = arith.constant 32 : i32
    %scan3A_525 = arith.addi %scan3A, %scan3A_524 : i32
    %scan3A_526 = arith.constant 1 : i32
    scf.for %scan3A_528 = %scan3A to %scan3A_525 step %scan3A_526  : i32 {
      %mul3A_529 = arith.constant 1 : i32
      %mul3A_530 = arith.muli %scan3A_528, %mul3A_529 : i32
      %add3A_531 = arith.constant 0 : i32
      %add3A_532 = arith.addi %add3A_531, %mul3A_530 : i32
      %jit3A = arith.constant 2 : i32
      %eq3A = arith.constant 0 : i32
      %eq3A_533 = arith.cmpi eq, %jit3A, %eq3A : i32
      %jit3A_534 = arith.constant 1 : i32
      %select_n3A = arith.select %eq3A_533, %jit3A_534, %jit3A : i32
      %rem3A = arith.remsi %add3A_532, %select_n3A : i32
      %ne3A = arith.constant 0 : i32
      %ne3A_535 = arith.cmpi ne, %rem3A, %ne3A : i32
      %lt3A = arith.constant 0 : i32
      %lt3A_536 = arith.cmpi slt, %rem3A, %lt3A : i32
      %lt3A_537 = arith.constant 0 : i32
      %lt3A_538 = arith.cmpi slt, %select_n3A, %lt3A_537 : i32
      %ne3A_539 = arith.xori %lt3A_536, %lt3A_538 : i1
      %and3A = arith.andi %ne3A_539, %ne3A_535 : i1
      %add3A_540 = arith.addi %rem3A, %select_n3A : i32
      %select_n3A_541 = arith.select %and3A, %add3A_540, %rem3A : i32
      %mul3A_542 = arith.constant 16 : i32
      %mul3A_543 = arith.muli %select_n3A_541, %mul3A_542 : i32
      %dma_wait3A = arith.constant 0 : i32
      %dma_wait3A_544 = arith.constant 0 : i32
      %dma_wait3A_545 = arith.constant 0 : i32
      %dma_wait3A_546 = tpu.memref_slice %arg6[%dma_wait3A, %dma_wait3A_544, %dma_wait3A_545] : memref<32x16x128xf32, #tpu.memory_space<vmem>> -> memref<1x16x128xf32, #tpu.memory_space<vmem>>
      %dma_wait3A_547 = tpu.memref_squeeze %dma_wait3A_546 : memref<1x16x128xf32, #tpu.memory_space<vmem>> -> memref<16x128xf32, #tpu.memory_space<vmem>>
      %dma_wait3A_548 = arith.constant 0 : i32
      %dma_wait3A_549 = arith.constant 0 : i32
      %dma_wait3A_550 = tpu.memref_slice %arg2[%dma_wait3A_548, %dma_wait3A_549] : memref<16x1000000xf32, #tpu.memory_space<hbm>> -> memref<16x128xf32, #tpu.memory_space<hbm>>
      %dma_wait3A_551 = arith.constant 0 : i32
      %dma_wait3A_552 = arith.constant 0 : i32
      %dma_wait3A_553 = tpu.memref_slice %arg6[%dma_wait3A, %dma_wait3A_551, %dma_wait3A_552] : memref<32x16x128xf32, #tpu.memory_space<vmem>> -> memref<1x16x128xf32, #tpu.memory_space<vmem>>
      %dma_wait3A_554 = tpu.memref_squeeze %dma_wait3A_553 : memref<1x16x128xf32, #tpu.memory_space<vmem>> -> memref<16x128xf32, #tpu.memory_space<vmem>>
      %dma_wait3A_555 = arith.constant 0 : i32
      %dma_wait3A_556 = arith.constant 0 : i32
      %dma_wait3A_557 = tpu.memref_slice %arg2[%dma_wait3A_555, %dma_wait3A_556] : memref<16x1000000xf32, #tpu.memory_space<hbm>> -> memref<16x128xf32, #tpu.memory_space<hbm>>
      tpu.wait_dma2 semaphore(%arg8 : memref<!tpu.dma_semaphore, #tpu.memory_space<semaphore_mem>>) src(%dma_wait3A_557 : memref<16x128xf32, #tpu.memory_space<hbm>>) dst(%dma_wait3A_554 : memref<16x128xf32, #tpu.memory_space<vmem>>)
      %dma_wait3A_558 = arith.constant 0 : i32
      %dma_wait3A_559 = arith.constant 0 : i32
      %dma_wait3A_560 = arith.constant 0 : i32
      %dma_wait3A_561 = tpu.memref_slice %arg6[%dma_wait3A_558, %dma_wait3A_559, %dma_wait3A_560] : memref<32x16x128xf32, #tpu.memory_space<vmem>> -> memref<1x16x128xf32, #tpu.memory_space<vmem>>
      %dma_wait3A_562 = tpu.memref_squeeze %dma_wait3A_561 : memref<1x16x128xf32, #tpu.memory_space<vmem>> -> memref<16x128xf32, #tpu.memory_space<vmem>>
      %dma_wait3A_563 = arith.constant 0 : i32
      %dma_wait3A_564 = arith.constant 0 : i32
      %dma_wait3A_565 = tpu.memref_slice %arg2[%dma_wait3A_563, %dma_wait3A_564] : memref<16x1000000xf32, #tpu.memory_space<hbm>> -> memref<16x128xf32, #tpu.memory_space<hbm>>
      %dma_wait3A_566 = arith.constant 0 : i32
      %dma_wait3A_567 = arith.constant 0 : i32
      %dma_wait3A_568 = tpu.memref_slice %arg6[%dma_wait3A_558, %dma_wait3A_566, %dma_wait3A_567] : memref<32x16x128xf32, #tpu.memory_space<vmem>> -> memref<1x16x128xf32, #tpu.memory_space<vmem>>
      %dma_wait3A_569 = tpu.memref_squeeze %dma_wait3A_568 : memref<1x16x128xf32, #tpu.memory_space<vmem>> -> memref<16x128xf32, #tpu.memory_space<vmem>>
      %dma_wait3A_570 = arith.constant 0 : i32
      %dma_wait3A_571 = arith.constant 0 : i32
      %dma_wait3A_572 = tpu.memref_slice %arg2[%dma_wait3A_570, %dma_wait3A_571] : memref<16x1000000xf32, #tpu.memory_space<hbm>> -> memref<16x128xf32, #tpu.memory_space<hbm>>
      tpu.wait_dma2 semaphore(%arg8 : memref<!tpu.dma_semaphore, #tpu.memory_space<semaphore_mem>>) src(%dma_wait3A_572 : memref<16x128xf32, #tpu.memory_space<hbm>>) dst(%dma_wait3A_569 : memref<16x128xf32, #tpu.memory_space<vmem>>)
      %dma_wait3A_573 = arith.constant 0 : i32
      %dma_wait3A_574 = arith.constant 0 : i32
      %dma_wait3A_575 = arith.constant 0 : i32
      %dma_wait3A_576 = tpu.memref_slice %arg6[%dma_wait3A_573, %dma_wait3A_574, %dma_wait3A_575] : memref<32x16x128xf32, #tpu.memory_space<vmem>> -> memref<1x16x128xf32, #tpu.memory_space<vmem>>
      %dma_wait3A_577 = tpu.memref_squeeze %dma_wait3A_576 : memref<1x16x128xf32, #tpu.memory_space<vmem>> -> memref<16x128xf32, #tpu.memory_space<vmem>>
      %dma_wait3A_578 = arith.constant 0 : i32
      %dma_wait3A_579 = arith.constant 0 : i32
      %dma_wait3A_580 = tpu.memref_slice %arg2[%dma_wait3A_578, %dma_wait3A_579] : memref<16x1000000xf32, #tpu.memory_space<hbm>> -> memref<16x128xf32, #tpu.memory_space<hbm>>
      %dma_wait3A_581 = arith.constant 0 : i32
      %dma_wait3A_582 = arith.constant 0 : i32
      %dma_wait3A_583 = tpu.memref_slice %arg6[%dma_wait3A_573, %dma_wait3A_581, %dma_wait3A_582] : memref<32x16x128xf32, #tpu.memory_space<vmem>> -> memref<1x16x128xf32, #tpu.memory_space<vmem>>
      %dma_wait3A_584 = tpu.memref_squeeze %dma_wait3A_583 : memref<1x16x128xf32, #tpu.memory_space<vmem>> -> memref<16x128xf32, #tpu.memory_space<vmem>>
      %dma_wait3A_585 = arith.constant 0 : i32
      %dma_wait3A_586 = arith.constant 0 : i32
      %dma_wait3A_587 = tpu.memref_slice %arg2[%dma_wait3A_585, %dma_wait3A_586] : memref<16x1000000xf32, #tpu.memory_space<hbm>> -> memref<16x128xf32, #tpu.memory_space<hbm>>
      tpu.wait_dma2 semaphore(%arg8 : memref<!tpu.dma_semaphore, #tpu.memory_space<semaphore_mem>>) src(%dma_wait3A_587 : memref<16x128xf32, #tpu.memory_space<hbm>>) dst(%dma_wait3A_584 : memref<16x128xf32, #tpu.memory_space<vmem>>)
      %dma_wait3A_588 = arith.constant 0 : i32
      %dma_wait3A_589 = arith.constant 0 : i32
      %dma_wait3A_590 = arith.constant 0 : i32
      %dma_wait3A_591 = tpu.memref_slice %arg6[%dma_wait3A_588, %dma_wait3A_589, %dma_wait3A_590] : memref<32x16x128xf32, #tpu.memory_space<vmem>> -> memref<1x16x128xf32, #tpu.memory_space<vmem>>
      %dma_wait3A_592 = tpu.memref_squeeze %dma_wait3A_591 : memref<1x16x128xf32, #tpu.memory_space<vmem>> -> memref<16x128xf32, #tpu.memory_space<vmem>>
      %dma_wait3A_593 = arith.constant 0 : i32
      %dma_wait3A_594 = arith.constant 0 : i32
      %dma_wait3A_595 = tpu.memref_slice %arg2[%dma_wait3A_593, %dma_wait3A_594] : memref<16x1000000xf32, #tpu.memory_space<hbm>> -> memref<16x128xf32, #tpu.memory_space<hbm>>
      %dma_wait3A_596 = arith.constant 0 : i32
      %dma_wait3A_597 = arith.constant 0 : i32
      %dma_wait3A_598 = tpu.memref_slice %arg6[%dma_wait3A_588, %dma_wait3A_596, %dma_wait3A_597] : memref<32x16x128xf32, #tpu.memory_space<vmem>> -> memref<1x16x128xf32, #tpu.memory_space<vmem>>
      %dma_wait3A_599 = tpu.memref_squeeze %dma_wait3A_598 : memref<1x16x128xf32, #tpu.memory_space<vmem>> -> memref<16x128xf32, #tpu.memory_space<vmem>>
      %dma_wait3A_600 = arith.constant 0 : i32
      %dma_wait3A_601 = arith.constant 0 : i32
      %dma_wait3A_602 = tpu.memref_slice %arg2[%dma_wait3A_600, %dma_wait3A_601] : memref<16x1000000xf32, #tpu.memory_space<hbm>> -> memref<16x128xf32, #tpu.memory_space<hbm>>
      tpu.wait_dma2 semaphore(%arg8 : memref<!tpu.dma_semaphore, #tpu.memory_space<semaphore_mem>>) src(%dma_wait3A_602 : memref<16x128xf32, #tpu.memory_space<hbm>>) dst(%dma_wait3A_599 : memref<16x128xf32, #tpu.memory_space<vmem>>)
      %dma_wait3A_603 = arith.constant 0 : i32
      %dma_wait3A_604 = arith.constant 0 : i32
      %dma_wait3A_605 = arith.constant 0 : i32
      %dma_wait3A_606 = tpu.memref_slice %arg6[%dma_wait3A_603, %dma_wait3A_604, %dma_wait3A_605] : memref<32x16x128xf32, #tpu.memory_space<vmem>> -> memref<1x16x128xf32, #tpu.memory_space<vmem>>
      %dma_wait3A_607 = tpu.memref_squeeze %dma_wait3A_606 : memref<1x16x128xf32, #tpu.memory_space<vmem>> -> memref<16x128xf32, #tpu.memory_space<vmem>>
      %dma_wait3A_608 = arith.constant 0 : i32
      %dma_wait3A_609 = arith.constant 0 : i32
      %dma_wait3A_610 = tpu.memref_slice %arg2[%dma_wait3A_608, %dma_wait3A_609] : memref<16x1000000xf32, #tpu.memory_space<hbm>> -> memref<16x128xf32, #tpu.memory_space<hbm>>
      %dma_wait3A_611 = arith.constant 0 : i32
      %dma_wait3A_612 = arith.constant 0 : i32
      %dma_wait3A_613 = tpu.memref_slice %arg6[%dma_wait3A_603, %dma_wait3A_611, %dma_wait3A_612] : memref<32x16x128xf32, #tpu.memory_space<vmem>> -> memref<1x16x128xf32, #tpu.memory_space<vmem>>
      %dma_wait3A_614 = tpu.memref_squeeze %dma_wait3A_613 : memref<1x16x128xf32, #tpu.memory_space<vmem>> -> memref<16x128xf32, #tpu.memory_space<vmem>>
      %dma_wait3A_615 = arith.constant 0 : i32
      %dma_wait3A_616 = arith.constant 0 : i32
      %dma_wait3A_617 = tpu.memref_slice %arg2[%dma_wait3A_615, %dma_wait3A_616] : memref<16x1000000xf32, #tpu.memory_space<hbm>> -> memref<16x128xf32, #tpu.memory_space<hbm>>
      tpu.wait_dma2 semaphore(%arg8 : memref<!tpu.dma_semaphore, #tpu.memory_space<semaphore_mem>>) src(%dma_wait3A_617 : memref<16x128xf32, #tpu.memory_space<hbm>>) dst(%dma_wait3A_614 : memref<16x128xf32, #tpu.memory_space<vmem>>)
      %dma_wait3A_618 = arith.constant 0 : i32
      %dma_wait3A_619 = arith.constant 0 : i32
      %dma_wait3A_620 = arith.constant 0 : i32
      %dma_wait3A_621 = tpu.memref_slice %arg6[%dma_wait3A_618, %dma_wait3A_619, %dma_wait3A_620] : memref<32x16x128xf32, #tpu.memory_space<vmem>> -> memref<1x16x128xf32, #tpu.memory_space<vmem>>
      %dma_wait3A_622 = tpu.memref_squeeze %dma_wait3A_621 : memref<1x16x128xf32, #tpu.memory_space<vmem>> -> memref<16x128xf32, #tpu.memory_space<vmem>>
      %dma_wait3A_623 = arith.constant 0 : i32
      %dma_wait3A_624 = arith.constant 0 : i32
      %dma_wait3A_625 = tpu.memref_slice %arg2[%dma_wait3A_623, %dma_wait3A_624] : memref<16x1000000xf32, #tpu.memory_space<hbm>> -> memref<16x128xf32, #tpu.memory_space<hbm>>
      %dma_wait3A_626 = arith.constant 0 : i32
      %dma_wait3A_627 = arith.constant 0 : i32
      %dma_wait3A_628 = tpu.memref_slice %arg6[%dma_wait3A_618, %dma_wait3A_626, %dma_wait3A_627] : memref<32x16x128xf32, #tpu.memory_space<vmem>> -> memref<1x16x128xf32, #tpu.memory_space<vmem>>
      %dma_wait3A_629 = tpu.memref_squeeze %dma_wait3A_628 : memref<1x16x128xf32, #tpu.memory_space<vmem>> -> memref<16x128xf32, #tpu.memory_space<vmem>>
      %dma_wait3A_630 = arith.constant 0 : i32
      %dma_wait3A_631 = arith.constant 0 : i32
      %dma_wait3A_632 = tpu.memref_slice %arg2[%dma_wait3A_630, %dma_wait3A_631] : memref<16x1000000xf32, #tpu.memory_space<hbm>> -> memref<16x128xf32, #tpu.memory_space<hbm>>
      tpu.wait_dma2 semaphore(%arg8 : memref<!tpu.dma_semaphore, #tpu.memory_space<semaphore_mem>>) src(%dma_wait3A_632 : memref<16x128xf32, #tpu.memory_space<hbm>>) dst(%dma_wait3A_629 : memref<16x128xf32, #tpu.memory_space<vmem>>)
      %dma_wait3A_633 = arith.constant 0 : i32
      %dma_wait3A_634 = arith.constant 0 : i32
      %dma_wait3A_635 = arith.constant 0 : i32
      %dma_wait3A_636 = tpu.memref_slice %arg6[%dma_wait3A_633, %dma_wait3A_634, %dma_wait3A_635] : memref<32x16x128xf32, #tpu.memory_space<vmem>> -> memref<1x16x128xf32, #tpu.memory_space<vmem>>
      %dma_wait3A_637 = tpu.memref_squeeze %dma_wait3A_636 : memref<1x16x128xf32, #tpu.memory_space<vmem>> -> memref<16x128xf32, #tpu.memory_space<vmem>>
      %dma_wait3A_638 = arith.constant 0 : i32
      %dma_wait3A_639 = arith.constant 0 : i32
      %dma_wait3A_640 = tpu.memref_slice %arg2[%dma_wait3A_638, %dma_wait3A_639] : memref<16x1000000xf32, #tpu.memory_space<hbm>> -> memref<16x128xf32, #tpu.memory_space<hbm>>
      %dma_wait3A_641 = arith.constant 0 : i32
      %dma_wait3A_642 = arith.constant 0 : i32
      %dma_wait3A_643 = tpu.memref_slice %arg6[%dma_wait3A_633, %dma_wait3A_641, %dma_wait3A_642] : memref<32x16x128xf32, #tpu.memory_space<vmem>> -> memref<1x16x128xf32, #tpu.memory_space<vmem>>
      %dma_wait3A_644 = tpu.memref_squeeze %dma_wait3A_643 : memref<1x16x128xf32, #tpu.memory_space<vmem>> -> memref<16x128xf32, #tpu.memory_space<vmem>>
      %dma_wait3A_645 = arith.constant 0 : i32
      %dma_wait3A_646 = arith.constant 0 : i32
      %dma_wait3A_647 = tpu.memref_slice %arg2[%dma_wait3A_645, %dma_wait3A_646] : memref<16x1000000xf32, #tpu.memory_space<hbm>> -> memref<16x128xf32, #tpu.memory_space<hbm>>
      tpu.wait_dma2 semaphore(%arg8 : memref<!tpu.dma_semaphore, #tpu.memory_space<semaphore_mem>>) src(%dma_wait3A_647 : memref<16x128xf32, #tpu.memory_space<hbm>>) dst(%dma_wait3A_644 : memref<16x128xf32, #tpu.memory_space<vmem>>)
      %dma_wait3A_648 = arith.constant 0 : i32
      %dma_wait3A_649 = arith.constant 0 : i32
      %dma_wait3A_650 = arith.constant 0 : i32
      %dma_wait3A_651 = tpu.memref_slice %arg6[%dma_wait3A_648, %dma_wait3A_649, %dma_wait3A_650] : memref<32x16x128xf32, #tpu.memory_space<vmem>> -> memref<1x16x128xf32, #tpu.memory_space<vmem>>
      %dma_wait3A_652 = tpu.memref_squeeze %dma_wait3A_651 : memref<1x16x128xf32, #tpu.memory_space<vmem>> -> memref<16x128xf32, #tpu.memory_space<vmem>>
      %dma_wait3A_653 = arith.constant 0 : i32
      %dma_wait3A_654 = arith.constant 0 : i32
      %dma_wait3A_655 = tpu.memref_slice %arg2[%dma_wait3A_653, %dma_wait3A_654] : memref<16x1000000xf32, #tpu.memory_space<hbm>> -> memref<16x128xf32, #tpu.memory_space<hbm>>
      %dma_wait3A_656 = arith.constant 0 : i32
      %dma_wait3A_657 = arith.constant 0 : i32
      %dma_wait3A_658 = tpu.memref_slice %arg6[%dma_wait3A_648, %dma_wait3A_656, %dma_wait3A_657] : memref<32x16x128xf32, #tpu.memory_space<vmem>> -> memref<1x16x128xf32, #tpu.memory_space<vmem>>
      %dma_wait3A_659 = tpu.memref_squeeze %dma_wait3A_658 : memref<1x16x128xf32, #tpu.memory_space<vmem>> -> memref<16x128xf32, #tpu.memory_space<vmem>>
      %dma_wait3A_660 = arith.constant 0 : i32
      %dma_wait3A_661 = arith.constant 0 : i32
      %dma_wait3A_662 = tpu.memref_slice %arg2[%dma_wait3A_660, %dma_wait3A_661] : memref<16x1000000xf32, #tpu.memory_space<hbm>> -> memref<16x128xf32, #tpu.memory_space<hbm>>
      tpu.wait_dma2 semaphore(%arg8 : memref<!tpu.dma_semaphore, #tpu.memory_space<semaphore_mem>>) src(%dma_wait3A_662 : memref<16x128xf32, #tpu.memory_space<hbm>>) dst(%dma_wait3A_659 : memref<16x128xf32, #tpu.memory_space<vmem>>)
      %dma_wait3A_663 = arith.constant 0 : i32
      %dma_wait3A_664 = arith.constant 0 : i32
      %dma_wait3A_665 = arith.constant 0 : i32
      %dma_wait3A_666 = tpu.memref_slice %arg6[%dma_wait3A_663, %dma_wait3A_664, %dma_wait3A_665] : memref<32x16x128xf32, #tpu.memory_space<vmem>> -> memref<1x16x128xf32, #tpu.memory_space<vmem>>
      %dma_wait3A_667 = tpu.memref_squeeze %dma_wait3A_666 : memref<1x16x128xf32, #tpu.memory_space<vmem>> -> memref<16x128xf32, #tpu.memory_space<vmem>>
      %dma_wait3A_668 = arith.constant 0 : i32
      %dma_wait3A_669 = arith.constant 0 : i32
      %dma_wait3A_670 = tpu.memref_slice %arg2[%dma_wait3A_668, %dma_wait3A_669] : memref<16x1000000xf32, #tpu.memory_space<hbm>> -> memref<16x128xf32, #tpu.memory_space<hbm>>
      %dma_wait3A_671 = arith.constant 0 : i32
      %dma_wait3A_672 = arith.constant 0 : i32
      %dma_wait3A_673 = tpu.memref_slice %arg6[%dma_wait3A_663, %dma_wait3A_671, %dma_wait3A_672] : memref<32x16x128xf32, #tpu.memory_space<vmem>> -> memref<1x16x128xf32, #tpu.memory_space<vmem>>
      %dma_wait3A_674 = tpu.memref_squeeze %dma_wait3A_673 : memref<1x16x128xf32, #tpu.memory_space<vmem>> -> memref<16x128xf32, #tpu.memory_space<vmem>>
      %dma_wait3A_675 = arith.constant 0 : i32
      %dma_wait3A_676 = arith.constant 0 : i32
      %dma_wait3A_677 = tpu.memref_slice %arg2[%dma_wait3A_675, %dma_wait3A_676] : memref<16x1000000xf32, #tpu.memory_space<hbm>> -> memref<16x128xf32, #tpu.memory_space<hbm>>
      tpu.wait_dma2 semaphore(%arg8 : memref<!tpu.dma_semaphore, #tpu.memory_space<semaphore_mem>>) src(%dma_wait3A_677 : memref<16x128xf32, #tpu.memory_space<hbm>>) dst(%dma_wait3A_674 : memref<16x128xf32, #tpu.memory_space<vmem>>)
      %dma_wait3A_678 = arith.constant 0 : i32
      %dma_wait3A_679 = arith.constant 0 : i32
      %dma_wait3A_680 = arith.constant 0 : i32
      %dma_wait3A_681 = tpu.memref_slice %arg6[%dma_wait3A_678, %dma_wait3A_679, %dma_wait3A_680] : memref<32x16x128xf32, #tpu.memory_space<vmem>> -> memref<1x16x128xf32, #tpu.memory_space<vmem>>
      %dma_wait3A_682 = tpu.memref_squeeze %dma_wait3A_681 : memref<1x16x128xf32, #tpu.memory_space<vmem>> -> memref<16x128xf32, #tpu.memory_space<vmem>>
      %dma_wait3A_683 = arith.constant 0 : i32
      %dma_wait3A_684 = arith.constant 0 : i32
      %dma_wait3A_685 = tpu.memref_slice %arg2[%dma_wait3A_683, %dma_wait3A_684] : memref<16x1000000xf32, #tpu.memory_space<hbm>> -> memref<16x128xf32, #tpu.memory_space<hbm>>
      %dma_wait3A_686 = arith.constant 0 : i32
      %dma_wait3A_687 = arith.constant 0 : i32
      %dma_wait3A_688 = tpu.memref_slice %arg6[%dma_wait3A_678, %dma_wait3A_686, %dma_wait3A_687] : memref<32x16x128xf32, #tpu.memory_space<vmem>> -> memref<1x16x128xf32, #tpu.memory_space<vmem>>
      %dma_wait3A_689 = tpu.memref_squeeze %dma_wait3A_688 : memref<1x16x128xf32, #tpu.memory_space<vmem>> -> memref<16x128xf32, #tpu.memory_space<vmem>>
      %dma_wait3A_690 = arith.constant 0 : i32
      %dma_wait3A_691 = arith.constant 0 : i32
      %dma_wait3A_692 = tpu.memref_slice %arg2[%dma_wait3A_690, %dma_wait3A_691] : memref<16x1000000xf32, #tpu.memory_space<hbm>> -> memref<16x128xf32, #tpu.memory_space<hbm>>
      tpu.wait_dma2 semaphore(%arg8 : memref<!tpu.dma_semaphore, #tpu.memory_space<semaphore_mem>>) src(%dma_wait3A_692 : memref<16x128xf32, #tpu.memory_space<hbm>>) dst(%dma_wait3A_689 : memref<16x128xf32, #tpu.memory_space<vmem>>)
      %dma_wait3A_693 = arith.constant 0 : i32
      %dma_wait3A_694 = arith.constant 0 : i32
      %dma_wait3A_695 = arith.constant 0 : i32
      %dma_wait3A_696 = tpu.memref_slice %arg6[%dma_wait3A_693, %dma_wait3A_694, %dma_wait3A_695] : memref<32x16x128xf32, #tpu.memory_space<vmem>> -> memref<1x16x128xf32, #tpu.memory_space<vmem>>
      %dma_wait3A_697 = tpu.memref_squeeze %dma_wait3A_696 : memref<1x16x128xf32, #tpu.memory_space<vmem>> -> memref<16x128xf32, #tpu.memory_space<vmem>>
      %dma_wait3A_698 = arith.constant 0 : i32
      %dma_wait3A_699 = arith.constant 0 : i32
      %dma_wait3A_700 = tpu.memref_slice %arg2[%dma_wait3A_698, %dma_wait3A_699] : memref<16x1000000xf32, #tpu.memory_space<hbm>> -> memref<16x128xf32, #tpu.memory_space<hbm>>
      %dma_wait3A_701 = arith.constant 0 : i32
      %dma_wait3A_702 = arith.constant 0 : i32
      %dma_wait3A_703 = tpu.memref_slice %arg6[%dma_wait3A_693, %dma_wait3A_701, %dma_wait3A_702] : memref<32x16x128xf32, #tpu.memory_space<vmem>> -> memref<1x16x128xf32, #tpu.memory_space<vmem>>
      %dma_wait3A_704 = tpu.memref_squeeze %dma_wait3A_703 : memref<1x16x128xf32, #tpu.memory_space<vmem>> -> memref<16x128xf32, #tpu.memory_space<vmem>>
      %dma_wait3A_705 = arith.constant 0 : i32
      %dma_wait3A_706 = arith.constant 0 : i32
      %dma_wait3A_707 = tpu.memref_slice %arg2[%dma_wait3A_705, %dma_wait3A_706] : memref<16x1000000xf32, #tpu.memory_space<hbm>> -> memref<16x128xf32, #tpu.memory_space<hbm>>
      tpu.wait_dma2 semaphore(%arg8 : memref<!tpu.dma_semaphore, #tpu.memory_space<semaphore_mem>>) src(%dma_wait3A_707 : memref<16x128xf32, #tpu.memory_space<hbm>>) dst(%dma_wait3A_704 : memref<16x128xf32, #tpu.memory_space<vmem>>)
      %dma_wait3A_708 = arith.constant 0 : i32
      %dma_wait3A_709 = arith.constant 0 : i32
      %dma_wait3A_710 = arith.constant 0 : i32
      %dma_wait3A_711 = tpu.memref_slice %arg6[%dma_wait3A_708, %dma_wait3A_709, %dma_wait3A_710] : memref<32x16x128xf32, #tpu.memory_space<vmem>> -> memref<1x16x128xf32, #tpu.memory_space<vmem>>
      %dma_wait3A_712 = tpu.memref_squeeze %dma_wait3A_711 : memref<1x16x128xf32, #tpu.memory_space<vmem>> -> memref<16x128xf32, #tpu.memory_space<vmem>>
      %dma_wait3A_713 = arith.constant 0 : i32
      %dma_wait3A_714 = arith.constant 0 : i32
      %dma_wait3A_715 = tpu.memref_slice %arg2[%dma_wait3A_713, %dma_wait3A_714] : memref<16x1000000xf32, #tpu.memory_space<hbm>> -> memref<16x128xf32, #tpu.memory_space<hbm>>
      %dma_wait3A_716 = arith.constant 0 : i32
      %dma_wait3A_717 = arith.constant 0 : i32
      %dma_wait3A_718 = tpu.memref_slice %arg6[%dma_wait3A_708, %dma_wait3A_716, %dma_wait3A_717] : memref<32x16x128xf32, #tpu.memory_space<vmem>> -> memref<1x16x128xf32, #tpu.memory_space<vmem>>
      %dma_wait3A_719 = tpu.memref_squeeze %dma_wait3A_718 : memref<1x16x128xf32, #tpu.memory_space<vmem>> -> memref<16x128xf32, #tpu.memory_space<vmem>>
      %dma_wait3A_720 = arith.constant 0 : i32
      %dma_wait3A_721 = arith.constant 0 : i32
      %dma_wait3A_722 = tpu.memref_slice %arg2[%dma_wait3A_720, %dma_wait3A_721] : memref<16x1000000xf32, #tpu.memory_space<hbm>> -> memref<16x128xf32, #tpu.memory_space<hbm>>
      tpu.wait_dma2 semaphore(%arg8 : memref<!tpu.dma_semaphore, #tpu.memory_space<semaphore_mem>>) src(%dma_wait3A_722 : memref<16x128xf32, #tpu.memory_space<hbm>>) dst(%dma_wait3A_719 : memref<16x128xf32, #tpu.memory_space<vmem>>)
      %dma_wait3A_723 = arith.constant 0 : i32
      %dma_wait3A_724 = arith.constant 0 : i32
      %dma_wait3A_725 = arith.constant 0 : i32
      %dma_wait3A_726 = tpu.memref_slice %arg6[%dma_wait3A_723, %dma_wait3A_724, %dma_wait3A_725] : memref<32x16x128xf32, #tpu.memory_space<vmem>> -> memref<1x16x128xf32, #tpu.memory_space<vmem>>
      %dma_wait3A_727 = tpu.memref_squeeze %dma_wait3A_726 : memref<1x16x128xf32, #tpu.memory_space<vmem>> -> memref<16x128xf32, #tpu.memory_space<vmem>>
      %dma_wait3A_728 = arith.constant 0 : i32
      %dma_wait3A_729 = arith.constant 0 : i32
      %dma_wait3A_730 = tpu.memref_slice %arg2[%dma_wait3A_728, %dma_wait3A_729] : memref<16x1000000xf32, #tpu.memory_space<hbm>> -> memref<16x128xf32, #tpu.memory_space<hbm>>
      %dma_wait3A_731 = arith.constant 0 : i32
      %dma_wait3A_732 = arith.constant 0 : i32
      %dma_wait3A_733 = tpu.memref_slice %arg6[%dma_wait3A_723, %dma_wait3A_731, %dma_wait3A_732] : memref<32x16x128xf32, #tpu.memory_space<vmem>> -> memref<1x16x128xf32, #tpu.memory_space<vmem>>
      %dma_wait3A_734 = tpu.memref_squeeze %dma_wait3A_733 : memref<1x16x128xf32, #tpu.memory_space<vmem>> -> memref<16x128xf32, #tpu.memory_space<vmem>>
      %dma_wait3A_735 = arith.constant 0 : i32
      %dma_wait3A_736 = arith.constant 0 : i32
      %dma_wait3A_737 = tpu.memref_slice %arg2[%dma_wait3A_735, %dma_wait3A_736] : memref<16x1000000xf32, #tpu.memory_space<hbm>> -> memref<16x128xf32, #tpu.memory_space<hbm>>
      tpu.wait_dma2 semaphore(%arg8 : memref<!tpu.dma_semaphore, #tpu.memory_space<semaphore_mem>>) src(%dma_wait3A_737 : memref<16x128xf32, #tpu.memory_space<hbm>>) dst(%dma_wait3A_734 : memref<16x128xf32, #tpu.memory_space<vmem>>)
      %dma_wait3A_738 = arith.constant 0 : i32
      %dma_wait3A_739 = arith.constant 0 : i32
      %dma_wait3A_740 = arith.constant 0 : i32
      %dma_wait3A_741 = tpu.memref_slice %arg6[%dma_wait3A_738, %dma_wait3A_739, %dma_wait3A_740] : memref<32x16x128xf32, #tpu.memory_space<vmem>> -> memref<1x16x128xf32, #tpu.memory_space<vmem>>
      %dma_wait3A_742 = tpu.memref_squeeze %dma_wait3A_741 : memref<1x16x128xf32, #tpu.memory_space<vmem>> -> memref<16x128xf32, #tpu.memory_space<vmem>>
      %dma_wait3A_743 = arith.constant 0 : i32
      %dma_wait3A_744 = arith.constant 0 : i32
      %dma_wait3A_745 = tpu.memref_slice %arg2[%dma_wait3A_743, %dma_wait3A_744] : memref<16x1000000xf32, #tpu.memory_space<hbm>> -> memref<16x128xf32, #tpu.memory_space<hbm>>
      %dma_wait3A_746 = arith.constant 0 : i32
      %dma_wait3A_747 = arith.constant 0 : i32
      %dma_wait3A_748 = tpu.memref_slice %arg6[%dma_wait3A_738, %dma_wait3A_746, %dma_wait3A_747] : memref<32x16x128xf32, #tpu.memory_space<vmem>> -> memref<1x16x128xf32, #tpu.memory_space<vmem>>
      %dma_wait3A_749 = tpu.memref_squeeze %dma_wait3A_748 : memref<1x16x128xf32, #tpu.memory_space<vmem>> -> memref<16x128xf32, #tpu.memory_space<vmem>>
      %dma_wait3A_750 = arith.constant 0 : i32
      %dma_wait3A_751 = arith.constant 0 : i32
      %dma_wait3A_752 = tpu.memref_slice %arg2[%dma_wait3A_750, %dma_wait3A_751] : memref<16x1000000xf32, #tpu.memory_space<hbm>> -> memref<16x128xf32, #tpu.memory_space<hbm>>
      tpu.wait_dma2 semaphore(%arg8 : memref<!tpu.dma_semaphore, #tpu.memory_space<semaphore_mem>>) src(%dma_wait3A_752 : memref<16x128xf32, #tpu.memory_space<hbm>>) dst(%dma_wait3A_749 : memref<16x128xf32, #tpu.memory_space<vmem>>)
      %dma_wait3A_753 = arith.constant 0 : i32
      %dma_wait3A_754 = arith.constant 0 : i32
      %dma_wait3A_755 = arith.constant 0 : i32
      %dma_wait3A_756 = tpu.memref_slice %arg6[%dma_wait3A_753, %dma_wait3A_754, %dma_wait3A_755] : memref<32x16x128xf32, #tpu.memory_space<vmem>> -> memref<1x16x128xf32, #tpu.memory_space<vmem>>
      %dma_wait3A_757 = tpu.memref_squeeze %dma_wait3A_756 : memref<1x16x128xf32, #tpu.memory_space<vmem>> -> memref<16x128xf32, #tpu.memory_space<vmem>>
      %dma_wait3A_758 = arith.constant 0 : i32
      %dma_wait3A_759 = arith.constant 0 : i32
      %dma_wait3A_760 = tpu.memref_slice %arg2[%dma_wait3A_758, %dma_wait3A_759] : memref<16x1000000xf32, #tpu.memory_space<hbm>> -> memref<16x128xf32, #tpu.memory_space<hbm>>
      %dma_wait3A_761 = arith.constant 0 : i32
      %dma_wait3A_762 = arith.constant 0 : i32
      %dma_wait3A_763 = tpu.memref_slice %arg6[%dma_wait3A_753, %dma_wait3A_761, %dma_wait3A_762] : memref<32x16x128xf32, #tpu.memory_space<vmem>> -> memref<1x16x128xf32, #tpu.memory_space<vmem>>
      %dma_wait3A_764 = tpu.memref_squeeze %dma_wait3A_763 : memref<1x16x128xf32, #tpu.memory_space<vmem>> -> memref<16x128xf32, #tpu.memory_space<vmem>>
      %dma_wait3A_765 = arith.constant 0 : i32
      %dma_wait3A_766 = arith.constant 0 : i32
      %dma_wait3A_767 = tpu.memref_slice %arg2[%dma_wait3A_765, %dma_wait3A_766] : memref<16x1000000xf32, #tpu.memory_space<hbm>> -> memref<16x128xf32, #tpu.memory_space<hbm>>
      tpu.wait_dma2 semaphore(%arg8 : memref<!tpu.dma_semaphore, #tpu.memory_space<semaphore_mem>>) src(%dma_wait3A_767 : memref<16x128xf32, #tpu.memory_space<hbm>>) dst(%dma_wait3A_764 : memref<16x128xf32, #tpu.memory_space<vmem>>)
      %dma_wait3A_768 = arith.constant 0 : i32
      %dma_wait3A_769 = arith.constant 0 : i32
      %dma_wait3A_770 = arith.constant 0 : i32
      %dma_wait3A_771 = tpu.memref_slice %arg6[%dma_wait3A_768, %dma_wait3A_769, %dma_wait3A_770] : memref<32x16x128xf32, #tpu.memory_space<vmem>> -> memref<1x16x128xf32, #tpu.memory_space<vmem>>
      %dma_wait3A_772 = tpu.memref_squeeze %dma_wait3A_771 : memref<1x16x128xf32, #tpu.memory_space<vmem>> -> memref<16x128xf32, #tpu.memory_space<vmem>>
      %dma_wait3A_773 = arith.constant 0 : i32
      %dma_wait3A_774 = arith.constant 0 : i32
      %dma_wait3A_775 = tpu.memref_slice %arg2[%dma_wait3A_773, %dma_wait3A_774] : memref<16x1000000xf32, #tpu.memory_space<hbm>> -> memref<16x128xf32, #tpu.memory_space<hbm>>
      %dma_wait3A_776 = arith.constant 0 : i32
      %dma_wait3A_777 = arith.constant 0 : i32
      %dma_wait3A_778 = tpu.memref_slice %arg6[%dma_wait3A_768, %dma_wait3A_776, %dma_wait3A_777] : memref<32x16x128xf32, #tpu.memory_space<vmem>> -> memref<1x16x128xf32, #tpu.memory_space<vmem>>
      %dma_wait3A_779 = tpu.memref_squeeze %dma_wait3A_778 : memref<1x16x128xf32, #tpu.memory_space<vmem>> -> memref<16x128xf32, #tpu.memory_space<vmem>>
      %dma_wait3A_780 = arith.constant 0 : i32
      %dma_wait3A_781 = arith.constant 0 : i32
      %dma_wait3A_782 = tpu.memref_slice %arg2[%dma_wait3A_780, %dma_wait3A_781] : memref<16x1000000xf32, #tpu.memory_space<hbm>> -> memref<16x128xf32, #tpu.memory_space<hbm>>
      tpu.wait_dma2 semaphore(%arg8 : memref<!tpu.dma_semaphore, #tpu.memory_space<semaphore_mem>>) src(%dma_wait3A_782 : memref<16x128xf32, #tpu.memory_space<hbm>>) dst(%dma_wait3A_779 : memref<16x128xf32, #tpu.memory_space<vmem>>)
      %mul3A_783 = arith.constant 16 : i32
      %mul3A_784 = arith.muli %add3A_532, %mul3A_783 : i32
      %get3A_785 = arith.index_cast %mul3A_784 : i32 to index
      %get3A_786 = tpu.vector_load %arg5[%get3A_785] {strides = array<i32>} : memref<512xi32, #tpu.memory_space<vmem>>, vector<16xi32>,
      %and3A_787 = arith.constant 127 : i32
      %and3A_788 = vector.broadcast %and3A_787 : i32 to vector<16xi32>
      %and3A_789 = arith.andi %get3A_786, %and3A_788 : vector<16xi32>
      %add3A_790 = vector.broadcast %mul3A_543 : i32 to vector<16xi32>
      %add3A_791 = arith.addi %add3A_790, %iota3A : vector<16xi32>
      %broadcast_in_dim3A = arith.constant 0 : i32
      %broadcast_in_dim3A_792 = vector.broadcast %broadcast_in_dim3A : i32 to vector<16xi32>
      %gather3A = tpu.vector_load_idx %arg6[%add3A_791, %broadcast_in_dim3A_792, %and3A_789] : memref<32x16x128xf32, #tpu.memory_space<vmem>>[vector<16xi32>, vector<16xi32>, vector<16xi32>], vector<16xf32>,
      %broadcast_in_dim3A_793 = arith.constant 1 : i32
      %broadcast_in_dim3A_794 = vector.broadcast %broadcast_in_dim3A_793 : i32 to vector<16xi32>
      %gather3A_795 = tpu.vector_load_idx %arg6[%add3A_791, %broadcast_in_dim3A_794, %and3A_789] : memref<32x16x128xf32, #tpu.memory_space<vmem>>[vector<16xi32>, vector<16xi32>, vector<16xi32>], vector<16xf32>,
      %broadcast_in_dim3A_796 = arith.constant 2 : i32
      %broadcast_in_dim3A_797 = vector.broadcast %broadcast_in_dim3A_796 : i32 to vector<16xi32>
      %gather3A_798 = tpu.vector_load_idx %arg6[%add3A_791, %broadcast_in_dim3A_797, %and3A_789] : memref<32x16x128xf32, #tpu.memory_space<vmem>>[vector<16xi32>, vector<16xi32>, vector<16xi32>], vector<16xf32>,
      %broadcast_in_dim3A_799 = arith.constant 3 : i32
      %broadcast_in_dim3A_800 = vector.broadcast %broadcast_in_dim3A_799 : i32 to vector<16xi32>
      %gather3A_801 = tpu.vector_load_idx %arg6[%add3A_791, %broadcast_in_dim3A_800, %and3A_789] : memref<32x16x128xf32, #tpu.memory_space<vmem>>[vector<16xi32>, vector<16xi32>, vector<16xi32>], vector<16xf32>,
      %broadcast_in_dim3A_802 = arith.constant 4 : i32
      %broadcast_in_dim3A_803 = vector.broadcast %broadcast_in_dim3A_802 : i32 to vector<16xi32>
      %gather3A_804 = tpu.vector_load_idx %arg6[%add3A_791, %broadcast_in_dim3A_803, %and3A_789] : memref<32x16x128xf32, #tpu.memory_space<vmem>>[vector<16xi32>, vector<16xi32>, vector<16xi32>], vector<16xf32>,
      %broadcast_in_dim3A_805 = arith.constant 5 : i32
      %broadcast_in_dim3A_806 = vector.broadcast %broadcast_in_dim3A_805 : i32 to vector<16xi32>
      %gather3A_807 = tpu.vector_load_idx %arg6[%add3A_791, %broadcast_in_dim3A_806, %and3A_789] : memref<32x16x128xf32, #tpu.memory_space<vmem>>[vector<16xi32>, vector<16xi32>, vector<16xi32>], vector<16xf32>,
      %broadcast_in_dim3A_808 = arith.constant 6 : i32
      %broadcast_in_dim3A_809 = vector.broadcast %broadcast_in_dim3A_808 : i32 to vector<16xi32>
      %gather3A_810 = tpu.vector_load_idx %arg6[%add3A_791, %broadcast_in_dim3A_809, %and3A_789] : memref<32x16x128xf32, #tpu.memory_space<vmem>>[vector<16xi32>, vector<16xi32>, vector<16xi32>], vector<16xf32>,
      %broadcast_in_dim3A_811 = arith.constant 7 : i32
      %broadcast_in_dim3A_812 = vector.broadcast %broadcast_in_dim3A_811 : i32 to vector<16xi32>
      %gather3A_813 = tpu.vector_load_idx %arg6[%add3A_791, %broadcast_in_dim3A_812, %and3A_789] : memref<32x16x128xf32, #tpu.memory_space<vmem>>[vector<16xi32>, vector<16xi32>, vector<16xi32>], vector<16xf32>,
      %broadcast_in_dim3A_814 = arith.constant 8 : i32
      %broadcast_in_dim3A_815 = vector.broadcast %broadcast_in_dim3A_814 : i32 to vector<16xi32>
      %gather3A_816 = tpu.vector_load_idx %arg6[%add3A_791, %broadcast_in_dim3A_815, %and3A_789] : memref<32x16x128xf32, #tpu.memory_space<vmem>>[vector<16xi32>, vector<16xi32>, vector<16xi32>], vector<16xf32>,
      %broadcast_in_dim3A_817 = arith.constant 9 : i32
      %broadcast_in_dim3A_818 = vector.broadcast %broadcast_in_dim3A_817 : i32 to vector<16xi32>
      %gather3A_819 = tpu.vector_load_idx %arg6[%add3A_791, %broadcast_in_dim3A_818, %and3A_789] : memref<32x16x128xf32, #tpu.memory_space<vmem>>[vector<16xi32>, vector<16xi32>, vector<16xi32>], vector<16xf32>,
      %broadcast_in_dim3A_820 = arith.constant 10 : i32
      %broadcast_in_dim3A_821 = vector.broadcast %broadcast_in_dim3A_820 : i32 to vector<16xi32>
      %gather3A_822 = tpu.vector_load_idx %arg6[%add3A_791, %broadcast_in_dim3A_821, %and3A_789] : memref<32x16x128xf32, #tpu.memory_space<vmem>>[vector<16xi32>, vector<16xi32>, vector<16xi32>], vector<16xf32>,
      %broadcast_in_dim3A_823 = arith.constant 11 : i32
      %broadcast_in_dim3A_824 = vector.broadcast %broadcast_in_dim3A_823 : i32 to vector<16xi32>
      %gather3A_825 = tpu.vector_load_idx %arg6[%add3A_791, %broadcast_in_dim3A_824, %and3A_789] : memref<32x16x128xf32, #tpu.memory_space<vmem>>[vector<16xi32>, vector<16xi32>, vector<16xi32>], vector<16xf32>,
      %broadcast_in_dim3A_826 = arith.constant 12 : i32
      %broadcast_in_dim3A_827 = vector.broadcast %broadcast_in_dim3A_826 : i32 to vector<16xi32>
      %gather3A_828 = tpu.vector_load_idx %arg6[%add3A_791, %broadcast_in_dim3A_827, %and3A_789] : memref<32x16x128xf32, #tpu.memory_space<vmem>>[vector<16xi32>, vector<16xi32>, vector<16xi32>], vector<16xf32>,
      %broadcast_in_dim3A_829 = arith.constant 13 : i32
      %broadcast_in_dim3A_830 = vector.broadcast %broadcast_in_dim3A_829 : i32 to vector<16xi32>
      %gather3A_831 = tpu.vector_load_idx %arg6[%add3A_791, %broadcast_in_dim3A_830, %and3A_789] : memref<32x16x128xf32, #tpu.memory_space<vmem>>[vector<16xi32>, vector<16xi32>, vector<16xi32>], vector<16xf32>,
      %broadcast_in_dim3A_832 = arith.constant 14 : i32
      %broadcast_in_dim3A_833 = vector.broadcast %broadcast_in_dim3A_832 : i32 to vector<16xi32>
      %gather3A_834 = tpu.vector_load_idx %arg6[%add3A_791, %broadcast_in_dim3A_833, %and3A_789] : memref<32x16x128xf32, #tpu.memory_space<vmem>>[vector<16xi32>, vector<16xi32>, vector<16xi32>], vector<16xf32>,
      %broadcast_in_dim3A_835 = arith.constant 15 : i32
      %broadcast_in_dim3A_836 = vector.broadcast %broadcast_in_dim3A_835 : i32 to vector<16xi32>
      %gather3A_837 = tpu.vector_load_idx %arg6[%add3A_791, %broadcast_in_dim3A_836, %and3A_789] : memref<32x16x128xf32, #tpu.memory_space<vmem>>[vector<16xi32>, vector<16xi32>, vector<16xi32>], vector<16xf32>,
      %mul3A_838 = arith.mulf %gather3A, %gather3A : vector<16xf32>
      %mul3A_839 = arith.mulf %gather3A_795, %gather3A_795 : vector<16xf32>
      %add3A_840 = arith.addf %mul3A_838, %mul3A_839 : vector<16xf32>
      %mul3A_841 = arith.mulf %gather3A_798, %gather3A_798 : vector<16xf32>
      %add3A_842 = arith.addf %add3A_840, %mul3A_841 : vector<16xf32>
      %mul3A_843 = arith.mulf %gather3A_801, %gather3A_801 : vector<16xf32>
      %add3A_844 = arith.addf %add3A_842, %mul3A_843 : vector<16xf32>
      %mul3A_845 = arith.mulf %gather3A_804, %gather3A_804 : vector<16xf32>
      %add3A_846 = arith.addf %add3A_844, %mul3A_845 : vector<16xf32>
      %mul3A_847 = arith.mulf %gather3A_807, %gather3A_807 : vector<16xf32>
      %add3A_848 = arith.addf %add3A_846, %mul3A_847 : vector<16xf32>
      %mul3A_849 = arith.mulf %gather3A_810, %gather3A_810 : vector<16xf32>
      %add3A_850 = arith.addf %add3A_848, %mul3A_849 : vector<16xf32>
      %mul3A_851 = arith.mulf %gather3A_813, %gather3A_813 : vector<16xf32>
      %add3A_852 = arith.addf %add3A_850, %mul3A_851 : vector<16xf32>
      %mul3A_853 = arith.mulf %gather3A_816, %gather3A_816 : vector<16xf32>
      %add3A_854 = arith.addf %add3A_852, %mul3A_853 : vector<16xf32>
      %mul3A_855 = arith.mulf %gather3A_819, %gather3A_819 : vector<16xf32>
      %add3A_856 = arith.addf %add3A_854, %mul3A_855 : vector<16xf32>
      %mul3A_857 = arith.mulf %gather3A_822, %gather3A_822 : vector<16xf32>
      %add3A_858 = arith.addf %add3A_856, %mul3A_857 : vector<16xf32>
      %mul3A_859 = arith.mulf %gather3A_825, %gather3A_825 : vector<16xf32>
      %add3A_860 = arith.addf %add3A_858, %mul3A_859 : vector<16xf32>
      %mul3A_861 = arith.mulf %gather3A_828, %gather3A_828 : vector<16xf32>
      %add3A_862 = arith.addf %add3A_860, %mul3A_861 : vector<16xf32>
      %mul3A_863 = arith.mulf %gather3A_831, %gather3A_831 : vector<16xf32>
      %add3A_864 = arith.addf %add3A_862, %mul3A_863 : vector<16xf32>
      %mul3A_865 = arith.mulf %gather3A_834, %gather3A_834 : vector<16xf32>
      %add3A_866 = arith.addf %add3A_864, %mul3A_865 : vector<16xf32>
      %mul3A_867 = arith.mulf %gather3A_837, %gather3A_837 : vector<16xf32>
      %add3A_868 = arith.addf %add3A_866, %mul3A_867 : vector<16xf32>
      %gt3A = arith.constant 4.000000e+00 : f32
      %gt3A_869 = vector.broadcast %gt3A : f32 to vector<16xf32>
      %gt3A_870 = arith.cmpf ogt, %add3A_868, %gt3A_869 : vector<16xf32>
      %bitcast_convert_type3A = tpu.bitcast %add3A_868 : vector<16xf32> -> vector<16xi32>
      %shift_right_arithmetic3A_871 = arith.constant 1 : i32
      %shift_right_arithmetic3A_872 = vector.broadcast %shift_right_arithmetic3A_871 : i32 to vector<16xi32>
      %shift_right_arithmetic3A_873 = arith.shrsi %bitcast_convert_type3A, %shift_right_arithmetic3A_872 : vector<16xi32>
      %sub3A = arith.constant 1597463007 : i32
      %sub3A_874 = vector.broadcast %sub3A : i32 to vector<16xi32>
      %sub3A_875 = arith.subi %sub3A_874, %shift_right_arithmetic3A_873 : vector<16xi32>
      %bitcast_convert_type3A_876 = tpu.bitcast %sub3A_875 : vector<16xi32> -> vector<16xf32>
      %mul3A_877 = arith.constant 5.000000e-01 : f32
      %mul3A_878 = vector.broadcast %mul3A_877 : f32 to vector<16xf32>
      %mul3A_879 = arith.mulf %mul3A_878, %add3A_868 : vector<16xf32>
      %mul3A_880 = arith.mulf %mul3A_879, %bitcast_convert_type3A_876 : vector<16xf32>
      %mul3A_881 = arith.mulf %mul3A_880, %bitcast_convert_type3A_876 : vector<16xf32>
      %sub3A_882 = arith.constant 1.500000e+00 : f32
      %sub3A_883 = vector.broadcast %sub3A_882 : f32 to vector<16xf32>
      %sub3A_884 = arith.subf %sub3A_883, %mul3A_881 : vector<16xf32>
      %mul3A_885 = arith.mulf %bitcast_convert_type3A_876, %sub3A_884 : vector<16xf32>
      %mul3A_886 = arith.constant 5.000000e-01 : f32
      %mul3A_887 = vector.broadcast %mul3A_886 : f32 to vector<16xf32>
      %mul3A_888 = arith.mulf %mul3A_887, %add3A_868 : vector<16xf32>
      %mul3A_889 = arith.mulf %mul3A_888, %mul3A_885 : vector<16xf32>
      %mul3A_890 = arith.mulf %mul3A_889, %mul3A_885 : vector<16xf32>
      %sub3A_891 = arith.constant 1.500000e+00 : f32
      %sub3A_892 = vector.broadcast %sub3A_891 : f32 to vector<16xf32>
      %sub3A_893 = arith.subf %sub3A_892, %mul3A_890 : vector<16xf32>
      %mul3A_894 = arith.mulf %mul3A_885, %sub3A_893 : vector<16xf32>
      %mul3A_895 = arith.constant 5.000000e-01 : f32
      %mul3A_896 = vector.broadcast %mul3A_895 : f32 to vector<16xf32>
      %mul3A_897 = arith.mulf %mul3A_896, %add3A_868 : vector<16xf32>
      %mul3A_898 = arith.mulf %mul3A_897, %mul3A_894 : vector<16xf32>
      %mul3A_899 = arith.mulf %mul3A_898, %mul3A_894 : vector<16xf32>
      %sub3A_900 = arith.constant 1.500000e+00 : f32
      %sub3A_901 = vector.broadcast %sub3A_900 : f32 to vector<16xf32>
      %sub3A_902 = arith.subf %sub3A_901, %mul3A_899 : vector<16xf32>
      %mul3A_903 = arith.mulf %mul3A_894, %sub3A_902 : vector<16xf32>
      %mul3A_904 = arith.constant 2.000000e+00 : f32
      %mul3A_905 = vector.broadcast %mul3A_904 : f32 to vector<16xf32>
      %mul3A_906 = arith.mulf %mul3A_905, %mul3A_903 : vector<16xf32>
      %jit3A_907 = arith.constant 1.000000e+00 : f32
      %broadcast_in_dim3A_908 = vector.broadcast %jit3A_907 : f32 to vector<16xf32>
      %select_n3A_909 = arith.select %gt3A_870, %mul3A_906, %broadcast_in_dim3A_908 : vector<16xi1>, vector<16xf32>
      %mul3A_910 = arith.constant 16 : i32
      %mul3A_911 = arith.muli %add3A_532, %mul3A_910 : i32
      %mul3A_912 = arith.mulf %gather3A, %select_n3A_909 : vector<16xf32>
      %swap3A = arith.constant 0 : i32
      %swap3A_913 = arith.index_cast %swap3A : i32 to index
      %swap3A_914 = arith.index_cast %mul3A_911 : i32 to index
      %swap3A_915 = tpu.vector_load %arg7[%swap3A_913, %swap3A_914] {strides = array<i32>} : memref<16x512xf32, #tpu.memory_space<vmem>>, vector<16xf32>,
      tpu.vector_store %arg7[%swap3A_913, %swap3A_914], %mul3A_912 {strides = array<i32>} : memref<16x512xf32, #tpu.memory_space<vmem>>, vector<16xf32>,
      %mul3A_916 = arith.mulf %gather3A_795, %select_n3A_909 : vector<16xf32>
      %swap3A_917 = arith.constant 1 : i32
      %swap3A_918 = arith.index_cast %swap3A_917 : i32 to index
      %swap3A_919 = arith.index_cast %mul3A_911 : i32 to index
      %swap3A_920 = tpu.vector_load %arg7[%swap3A_918, %swap3A_919] {strides = array<i32>} : memref<16x512xf32, #tpu.memory_space<vmem>>, vector<16xf32>,
      tpu.vector_store %arg7[%swap3A_918, %swap3A_919], %mul3A_916 {strides = array<i32>} : memref<16x512xf32, #tpu.memory_space<vmem>>, vector<16xf32>,
      %mul3A_921 = arith.mulf %gather3A_798, %select_n3A_909 : vector<16xf32>
      %swap3A_922 = arith.constant 2 : i32
      %swap3A_923 = arith.index_cast %swap3A_922 : i32 to index
      %swap3A_924 = arith.index_cast %mul3A_911 : i32 to index
      %swap3A_925 = tpu.vector_load %arg7[%swap3A_923, %swap3A_924] {strides = array<i32>} : memref<16x512xf32, #tpu.memory_space<vmem>>, vector<16xf32>,
      tpu.vector_store %arg7[%swap3A_923, %swap3A_924], %mul3A_921 {strides = array<i32>} : memref<16x512xf32, #tpu.memory_space<vmem>>, vector<16xf32>,
      %mul3A_926 = arith.mulf %gather3A_801, %select_n3A_909 : vector<16xf32>
      %swap3A_927 = arith.constant 3 : i32
      %swap3A_928 = arith.index_cast %swap3A_927 : i32 to index
      %swap3A_929 = arith.index_cast %mul3A_911 : i32 to index
      %swap3A_930 = tpu.vector_load %arg7[%swap3A_928, %swap3A_929] {strides = array<i32>} : memref<16x512xf32, #tpu.memory_space<vmem>>, vector<16xf32>,
      tpu.vector_store %arg7[%swap3A_928, %swap3A_929], %mul3A_926 {strides = array<i32>} : memref<16x512xf32, #tpu.memory_space<vmem>>, vector<16xf32>,
      %mul3A_931 = arith.mulf %gather3A_804, %select_n3A_909 : vector<16xf32>
      %swap3A_932 = arith.constant 4 : i32
      %swap3A_933 = arith.index_cast %swap3A_932 : i32 to index
      %swap3A_934 = arith.index_cast %mul3A_911 : i32 to index
      %swap3A_935 = tpu.vector_load %arg7[%swap3A_933, %swap3A_934] {strides = array<i32>} : memref<16x512xf32, #tpu.memory_space<vmem>>, vector<16xf32>,
      tpu.vector_store %arg7[%swap3A_933, %swap3A_934], %mul3A_931 {strides = array<i32>} : memref<16x512xf32, #tpu.memory_space<vmem>>, vector<16xf32>,
      %mul3A_936 = arith.mulf %gather3A_807, %select_n3A_909 : vector<16xf32>
      %swap3A_937 = arith.constant 5 : i32
      %swap3A_938 = arith.index_cast %swap3A_937 : i32 to index
      %swap3A_939 = arith.index_cast %mul3A_911 : i32 to index
      %swap3A_940 = tpu.vector_load %arg7[%swap3A_938, %swap3A_939] {strides = array<i32>} : memref<16x512xf32, #tpu.memory_space<vmem>>, vector<16xf32>,
      tpu.vector_store %arg7[%swap3A_938, %swap3A_939], %mul3A_936 {strides = array<i32>} : memref<16x512xf32, #tpu.memory_space<vmem>>, vector<16xf32>,
      %mul3A_941 = arith.mulf %gather3A_810, %select_n3A_909 : vector<16xf32>
      %swap3A_942 = arith.constant 6 : i32
      %swap3A_943 = arith.index_cast %swap3A_942 : i32 to index
      %swap3A_944 = arith.index_cast %mul3A_911 : i32 to index
      %swap3A_945 = tpu.vector_load %arg7[%swap3A_943, %swap3A_944] {strides = array<i32>} : memref<16x512xf32, #tpu.memory_space<vmem>>, vector<16xf32>,
      tpu.vector_store %arg7[%swap3A_943, %swap3A_944], %mul3A_941 {strides = array<i32>} : memref<16x512xf32, #tpu.memory_space<vmem>>, vector<16xf32>,
      %mul3A_946 = arith.mulf %gather3A_813, %select_n3A_909 : vector<16xf32>
      %swap3A_947 = arith.constant 7 : i32
      %swap3A_948 = arith.index_cast %swap3A_947 : i32 to index
      %swap3A_949 = arith.index_cast %mul3A_911 : i32 to index
      %swap3A_950 = tpu.vector_load %arg7[%swap3A_948, %swap3A_949] {strides = array<i32>} : memref<16x512xf32, #tpu.memory_space<vmem>>, vector<16xf32>,
      tpu.vector_store %arg7[%swap3A_948, %swap3A_949], %mul3A_946 {strides = array<i32>} : memref<16x512xf32, #tpu.memory_space<vmem>>, vector<16xf32>,
      %mul3A_951 = arith.mulf %gather3A_816, %select_n3A_909 : vector<16xf32>
      %swap3A_952 = arith.constant 8 : i32
      %swap3A_953 = arith.index_cast %swap3A_952 : i32 to index
      %swap3A_954 = arith.index_cast %mul3A_911 : i32 to index
      %swap3A_955 = tpu.vector_load %arg7[%swap3A_953, %swap3A_954] {strides = array<i32>} : memref<16x512xf32, #tpu.memory_space<vmem>>, vector<16xf32>,
      tpu.vector_store %arg7[%swap3A_953, %swap3A_954], %mul3A_951 {strides = array<i32>} : memref<16x512xf32, #tpu.memory_space<vmem>>, vector<16xf32>,
      %mul3A_956 = arith.mulf %gather3A_819, %select_n3A_909 : vector<16xf32>
      %swap3A_957 = arith.constant 9 : i32
      %swap3A_958 = arith.index_cast %swap3A_957 : i32 to index
      %swap3A_959 = arith.index_cast %mul3A_911 : i32 to index
      %swap3A_960 = tpu.vector_load %arg7[%swap3A_958, %swap3A_959] {strides = array<i32>} : memref<16x512xf32, #tpu.memory_space<vmem>>, vector<16xf32>,
      tpu.vector_store %arg7[%swap3A_958, %swap3A_959], %mul3A_956 {strides = array<i32>} : memref<16x512xf32, #tpu.memory_space<vmem>>, vector<16xf32>,
      %mul3A_961 = arith.mulf %gather3A_822, %select_n3A_909 : vector<16xf32>
      %swap3A_962 = arith.constant 10 : i32
      %swap3A_963 = arith.index_cast %swap3A_962 : i32 to index
      %swap3A_964 = arith.index_cast %mul3A_911 : i32 to index
      %swap3A_965 = tpu.vector_load %arg7[%swap3A_963, %swap3A_964] {strides = array<i32>} : memref<16x512xf32, #tpu.memory_space<vmem>>, vector<16xf32>,
      tpu.vector_store %arg7[%swap3A_963, %swap3A_964], %mul3A_961 {strides = array<i32>} : memref<16x512xf32, #tpu.memory_space<vmem>>, vector<16xf32>,
      %mul3A_966 = arith.mulf %gather3A_825, %select_n3A_909 : vector<16xf32>
      %swap3A_967 = arith.constant 11 : i32
      %swap3A_968 = arith.index_cast %swap3A_967 : i32 to index
      %swap3A_969 = arith.index_cast %mul3A_911 : i32 to index
      %swap3A_970 = tpu.vector_load %arg7[%swap3A_968, %swap3A_969] {strides = array<i32>} : memref<16x512xf32, #tpu.memory_space<vmem>>, vector<16xf32>,
      tpu.vector_store %arg7[%swap3A_968, %swap3A_969], %mul3A_966 {strides = array<i32>} : memref<16x512xf32, #tpu.memory_space<vmem>>, vector<16xf32>,
      %mul3A_971 = arith.mulf %gather3A_828, %select_n3A_909 : vector<16xf32>
      %swap3A_972 = arith.constant 12 : i32
      %swap3A_973 = arith.index_cast %swap3A_972 : i32 to index
      %swap3A_974 = arith.index_cast %mul3A_911 : i32 to index
      %swap3A_975 = tpu.vector_load %arg7[%swap3A_973, %swap3A_974] {strides = array<i32>} : memref<16x512xf32, #tpu.memory_space<vmem>>, vector<16xf32>,
      tpu.vector_store %arg7[%swap3A_973, %swap3A_974], %mul3A_971 {strides = array<i32>} : memref<16x512xf32, #tpu.memory_space<vmem>>, vector<16xf32>,
      %mul3A_976 = arith.mulf %gather3A_831, %select_n3A_909 : vector<16xf32>
      %swap3A_977 = arith.constant 13 : i32
      %swap3A_978 = arith.index_cast %swap3A_977 : i32 to index
      %swap3A_979 = arith.index_cast %mul3A_911 : i32 to index
      %swap3A_980 = tpu.vector_load %arg7[%swap3A_978, %swap3A_979] {strides = array<i32>} : memref<16x512xf32, #tpu.memory_space<vmem>>, vector<16xf32>,
      tpu.vector_store %arg7[%swap3A_978, %swap3A_979], %mul3A_976 {strides = array<i32>} : memref<16x512xf32, #tpu.memory_space<vmem>>, vector<16xf32>,
      %mul3A_981 = arith.mulf %gather3A_834, %select_n3A_909 : vector<16xf32>
      %swap3A_982 = arith.constant 14 : i32
      %swap3A_983 = arith.index_cast %swap3A_982 : i32 to index
      %swap3A_984 = arith.index_cast %mul3A_911 : i32 to index
      %swap3A_985 = tpu.vector_load %arg7[%swap3A_983, %swap3A_984] {strides = array<i32>} : memref<16x512xf32, #tpu.memory_space<vmem>>, vector<16xf32>,
      tpu.vector_store %arg7[%swap3A_983, %swap3A_984], %mul3A_981 {strides = array<i32>} : memref<16x512xf32, #tpu.memory_space<vmem>>, vector<16xf32>,
      %mul3A_986 = arith.mulf %gather3A_837, %select_n3A_909 : vector<16xf32>
      %swap3A_987 = arith.constant 15 : i32
      %swap3A_988 = arith.index_cast %swap3A_987 : i32 to index
      %swap3A_989 = arith.index_cast %mul3A_911 : i32 to index
      %swap3A_990 = tpu.vector_load %arg7[%swap3A_988, %swap3A_989] {strides = array<i32>} : memref<16x512xf32, #tpu.memory_space<vmem>>, vector<16xf32>,
      tpu.vector_store %arg7[%swap3A_988, %swap3A_989], %mul3A_986 {strides = array<i32>} : memref<16x512xf32, #tpu.memory_space<vmem>>, vector<16xf32>,
      %lt3A_991 = arith.constant 30 : i32
      %lt3A_992 = arith.cmpi slt, %add3A_532, %lt3A_991 : i32
      %convert_element_type3A = arith.extui %lt3A_992 : i1 to i32
      %cond3A = arith.constant 0 : i32
      %cond3A_993 = arith.cmpi ne, %convert_element_type3A, %cond3A : i32
      scf.if %cond3A_993 {
        %add3A_994 = arith.constant 2 : i32
        %add3A_995 = arith.addi %add3A_532, %add3A_994 : i32
        %mul3A_996 = arith.constant 16 : i32
        %mul3A_997 = arith.muli %add3A_995, %mul3A_996 : i32
        %get3A_998 = arith.index_cast %mul3A_997 : i32 to index
        %get3A_999 = tpu.vector_load %arg5[%get3A_998] {strides = array<i32>} : memref<512xi32, #tpu.memory_space<vmem>>, vector<16xi32>,
        %shift_right_arithmetic3A_1000 = arith.constant 7 : i32
        %shift_right_arithmetic3A_1001 = vector.broadcast %shift_right_arithmetic3A_1000 : i32 to vector<16xi32>
        %shift_right_arithmetic3A_1002 = arith.shrsi %get3A_999, %shift_right_arithmetic3A_1001 : vector<16xi32>
        %shift_left3A_1003 = arith.constant 7 : i32
        %shift_left3A_1004 = vector.broadcast %shift_left3A_1003 : i32 to vector<16xi32>
        %shift_left3A_1005 = arith.shli %shift_right_arithmetic3A_1002, %shift_left3A_1004 : vector<16xi32>
        %slice3A_1006 = vector.extract_strided_slice %shift_left3A_1005 {offsets = [0], sizes = [1], strides = [1]} : vector<16xi32> to vector<1xi32>
        %squeeze3A_1007 = vector.extract %slice3A_1006[0] : i32 from vector<1xi32>
        %multiple_of3A_1008 = tpu.assume_multiple %squeeze3A_1007, 128 : i32
        %add3A_1009 = arith.constant 0 : i32
        %add3A_1010 = arith.addi %mul3A_543, %add3A_1009 : i32
        %dma_start3A_1011 = arith.constant 0 : i32
        %dma_start3A_1012 = arith.constant 0 : i32
        %dma_start3A_1013 = tpu.memref_slice %arg6[%add3A_1010, %dma_start3A_1011, %dma_start3A_1012] : memref<32x16x128xf32, #tpu.memory_space<vmem>> -> memref<1x16x128xf32, #tpu.memory_space<vmem>>
        %dma_start3A_1014 = tpu.memref_squeeze %dma_start3A_1013 : memref<1x16x128xf32, #tpu.memory_space<vmem>> -> memref<16x128xf32, #tpu.memory_space<vmem>>
        %dma_start3A_1015 = arith.constant 0 : i32
        %dma_start3A_1016 = tpu.memref_slice %arg2[%dma_start3A_1015, %multiple_of3A_1008] : memref<16x1000000xf32, #tpu.memory_space<hbm>> -> memref<16x128xf32, #tpu.memory_space<hbm>>
        %dma_start3A_1017 = arith.constant 0 : i32
        %dma_start3A_1018 = arith.constant 0 : i32
        %dma_start3A_1019 = tpu.memref_slice %arg6[%add3A_1010, %dma_start3A_1017, %dma_start3A_1018] : memref<32x16x128xf32, #tpu.memory_space<vmem>> -> memref<1x16x128xf32, #tpu.memory_space<vmem>>
        %dma_start3A_1020 = tpu.memref_squeeze %dma_start3A_1019 : memref<1x16x128xf32, #tpu.memory_space<vmem>> -> memref<16x128xf32, #tpu.memory_space<vmem>>
        %dma_start3A_1021 = arith.constant 0 : i32
        %dma_start3A_1022 = tpu.memref_slice %arg2[%dma_start3A_1021, %multiple_of3A_1008] : memref<16x1000000xf32, #tpu.memory_space<hbm>> -> memref<16x128xf32, #tpu.memory_space<hbm>>
        tpu.enqueue_dma source(%dma_start3A_1022 : memref<16x128xf32, #tpu.memory_space<hbm>>) target(%dma_start3A_1020 : memref<16x128xf32, #tpu.memory_space<vmem>>) target_semaphore(%arg8 : memref<!tpu.dma_semaphore, #tpu.memory_space<semaphore_mem>>)
        %slice3A_1023 = vector.extract_strided_slice %shift_left3A_1005 {offsets = [1], sizes = [1], strides = [1]} : vector<16xi32> to vector<1xi32>
        %squeeze3A_1024 = vector.extract %slice3A_1023[0] : i32 from vector<1xi32>
        %multiple_of3A_1025 = tpu.assume_multiple %squeeze3A_1024, 128 : i32
        %add3A_1026 = arith.constant 1 : i32
        %add3A_1027 = arith.addi %mul3A_543, %add3A_1026 : i32
        %dma_start3A_1028 = arith.constant 0 : i32
        %dma_start3A_1029 = arith.constant 0 : i32
        %dma_start3A_1030 = tpu.memref_slice %arg6[%add3A_1027, %dma_start3A_1028, %dma_start3A_1029] : memref<32x16x128xf32, #tpu.memory_space<vmem>> -> memref<1x16x128xf32, #tpu.memory_space<vmem>>
        %dma_start3A_1031 = tpu.memref_squeeze %dma_start3A_1030 : memref<1x16x128xf32, #tpu.memory_space<vmem>> -> memref<16x128xf32, #tpu.memory_space<vmem>>
        %dma_start3A_1032 = arith.constant 0 : i32
        %dma_start3A_1033 = tpu.memref_slice %arg2[%dma_start3A_1032, %multiple_of3A_1025] : memref<16x1000000xf32, #tpu.memory_space<hbm>> -> memref<16x128xf32, #tpu.memory_space<hbm>>
        %dma_start3A_1034 = arith.constant 0 : i32
        %dma_start3A_1035 = arith.constant 0 : i32
        %dma_start3A_1036 = tpu.memref_slice %arg6[%add3A_1027, %dma_start3A_1034, %dma_start3A_1035] : memref<32x16x128xf32, #tpu.memory_space<vmem>> -> memref<1x16x128xf32, #tpu.memory_space<vmem>>
        %dma_start3A_1037 = tpu.memref_squeeze %dma_start3A_1036 : memref<1x16x128xf32, #tpu.memory_space<vmem>> -> memref<16x128xf32, #tpu.memory_space<vmem>>
        %dma_start3A_1038 = arith.constant 0 : i32
        %dma_start3A_1039 = tpu.memref_slice %arg2[%dma_start3A_1038, %multiple_of3A_1025] : memref<16x1000000xf32, #tpu.memory_space<hbm>> -> memref<16x128xf32, #tpu.memory_space<hbm>>
        tpu.enqueue_dma source(%dma_start3A_1039 : memref<16x128xf32, #tpu.memory_space<hbm>>) target(%dma_start3A_1037 : memref<16x128xf32, #tpu.memory_space<vmem>>) target_semaphore(%arg8 : memref<!tpu.dma_semaphore, #tpu.memory_space<semaphore_mem>>)
        %slice3A_1040 = vector.extract_strided_slice %shift_left3A_1005 {offsets = [2], sizes = [1], strides = [1]} : vector<16xi32> to vector<1xi32>
        %squeeze3A_1041 = vector.extract %slice3A_1040[0] : i32 from vector<1xi32>
        %multiple_of3A_1042 = tpu.assume_multiple %squeeze3A_1041, 128 : i32
        %add3A_1043 = arith.constant 2 : i32
        %add3A_1044 = arith.addi %mul3A_543, %add3A_1043 : i32
        %dma_start3A_1045 = arith.constant 0 : i32
        %dma_start3A_1046 = arith.constant 0 : i32
        %dma_start3A_1047 = tpu.memref_slice %arg6[%add3A_1044, %dma_start3A_1045, %dma_start3A_1046] : memref<32x16x128xf32, #tpu.memory_space<vmem>> -> memref<1x16x128xf32, #tpu.memory_space<vmem>>
        %dma_start3A_1048 = tpu.memref_squeeze %dma_start3A_1047 : memref<1x16x128xf32, #tpu.memory_space<vmem>> -> memref<16x128xf32, #tpu.memory_space<vmem>>
        %dma_start3A_1049 = arith.constant 0 : i32
        %dma_start3A_1050 = tpu.memref_slice %arg2[%dma_start3A_1049, %multiple_of3A_1042] : memref<16x1000000xf32, #tpu.memory_space<hbm>> -> memref<16x128xf32, #tpu.memory_space<hbm>>
        %dma_start3A_1051 = arith.constant 0 : i32
        %dma_start3A_1052 = arith.constant 0 : i32
        %dma_start3A_1053 = tpu.memref_slice %arg6[%add3A_1044, %dma_start3A_1051, %dma_start3A_1052] : memref<32x16x128xf32, #tpu.memory_space<vmem>> -> memref<1x16x128xf32, #tpu.memory_space<vmem>>
        %dma_start3A_1054 = tpu.memref_squeeze %dma_start3A_1053 : memref<1x16x128xf32, #tpu.memory_space<vmem>> -> memref<16x128xf32, #tpu.memory_space<vmem>>
        %dma_start3A_1055 = arith.constant 0 : i32
        %dma_start3A_1056 = tpu.memref_slice %arg2[%dma_start3A_1055, %multiple_of3A_1042] : memref<16x1000000xf32, #tpu.memory_space<hbm>> -> memref<16x128xf32, #tpu.memory_space<hbm>>
        tpu.enqueue_dma source(%dma_start3A_1056 : memref<16x128xf32, #tpu.memory_space<hbm>>) target(%dma_start3A_1054 : memref<16x128xf32, #tpu.memory_space<vmem>>) target_semaphore(%arg8 : memref<!tpu.dma_semaphore, #tpu.memory_space<semaphore_mem>>)
        %slice3A_1057 = vector.extract_strided_slice %shift_left3A_1005 {offsets = [3], sizes = [1], strides = [1]} : vector<16xi32> to vector<1xi32>
        %squeeze3A_1058 = vector.extract %slice3A_1057[0] : i32 from vector<1xi32>
        %multiple_of3A_1059 = tpu.assume_multiple %squeeze3A_1058, 128 : i32
        %add3A_1060 = arith.constant 3 : i32
        %add3A_1061 = arith.addi %mul3A_543, %add3A_1060 : i32
        %dma_start3A_1062 = arith.constant 0 : i32
        %dma_start3A_1063 = arith.constant 0 : i32
        %dma_start3A_1064 = tpu.memref_slice %arg6[%add3A_1061, %dma_start3A_1062, %dma_start3A_1063] : memref<32x16x128xf32, #tpu.memory_space<vmem>> -> memref<1x16x128xf32, #tpu.memory_space<vmem>>
        %dma_start3A_1065 = tpu.memref_squeeze %dma_start3A_1064 : memref<1x16x128xf32, #tpu.memory_space<vmem>> -> memref<16x128xf32, #tpu.memory_space<vmem>>
        %dma_start3A_1066 = arith.constant 0 : i32
        %dma_start3A_1067 = tpu.memref_slice %arg2[%dma_start3A_1066, %multiple_of3A_1059] : memref<16x1000000xf32, #tpu.memory_space<hbm>> -> memref<16x128xf32, #tpu.memory_space<hbm>>
        %dma_start3A_1068 = arith.constant 0 : i32
        %dma_start3A_1069 = arith.constant 0 : i32
        %dma_start3A_1070 = tpu.memref_slice %arg6[%add3A_1061, %dma_start3A_1068, %dma_start3A_1069] : memref<32x16x128xf32, #tpu.memory_space<vmem>> -> memref<1x16x128xf32, #tpu.memory_space<vmem>>
        %dma_start3A_1071 = tpu.memref_squeeze %dma_start3A_1070 : memref<1x16x128xf32, #tpu.memory_space<vmem>> -> memref<16x128xf32, #tpu.memory_space<vmem>>
        %dma_start3A_1072 = arith.constant 0 : i32
        %dma_start3A_1073 = tpu.memref_slice %arg2[%dma_start3A_1072, %multiple_of3A_1059] : memref<16x1000000xf32, #tpu.memory_space<hbm>> -> memref<16x128xf32, #tpu.memory_space<hbm>>
        tpu.enqueue_dma source(%dma_start3A_1073 : memref<16x128xf32, #tpu.memory_space<hbm>>) target(%dma_start3A_1071 : memref<16x128xf32, #tpu.memory_space<vmem>>) target_semaphore(%arg8 : memref<!tpu.dma_semaphore, #tpu.memory_space<semaphore_mem>>)
        %slice3A_1074 = vector.extract_strided_slice %shift_left3A_1005 {offsets = [4], sizes = [1], strides = [1]} : vector<16xi32> to vector<1xi32>
        %squeeze3A_1075 = vector.extract %slice3A_1074[0] : i32 from vector<1xi32>
        %multiple_of3A_1076 = tpu.assume_multiple %squeeze3A_1075, 128 : i32
        %add3A_1077 = arith.constant 4 : i32
        %add3A_1078 = arith.addi %mul3A_543, %add3A_1077 : i32
        %dma_start3A_1079 = arith.constant 0 : i32
        %dma_start3A_1080 = arith.constant 0 : i32
        %dma_start3A_1081 = tpu.memref_slice %arg6[%add3A_1078, %dma_start3A_1079, %dma_start3A_1080] : memref<32x16x128xf32, #tpu.memory_space<vmem>> -> memref<1x16x128xf32, #tpu.memory_space<vmem>>
        %dma_start3A_1082 = tpu.memref_squeeze %dma_start3A_1081 : memref<1x16x128xf32, #tpu.memory_space<vmem>> -> memref<16x128xf32, #tpu.memory_space<vmem>>
        %dma_start3A_1083 = arith.constant 0 : i32
        %dma_start3A_1084 = tpu.memref_slice %arg2[%dma_start3A_1083, %multiple_of3A_1076] : memref<16x1000000xf32, #tpu.memory_space<hbm>> -> memref<16x128xf32, #tpu.memory_space<hbm>>
        %dma_start3A_1085 = arith.constant 0 : i32
        %dma_start3A_1086 = arith.constant 0 : i32
        %dma_start3A_1087 = tpu.memref_slice %arg6[%add3A_1078, %dma_start3A_1085, %dma_start3A_1086] : memref<32x16x128xf32, #tpu.memory_space<vmem>> -> memref<1x16x128xf32, #tpu.memory_space<vmem>>
        %dma_start3A_1088 = tpu.memref_squeeze %dma_start3A_1087 : memref<1x16x128xf32, #tpu.memory_space<vmem>> -> memref<16x128xf32, #tpu.memory_space<vmem>>
        %dma_start3A_1089 = arith.constant 0 : i32
        %dma_start3A_1090 = tpu.memref_slice %arg2[%dma_start3A_1089, %multiple_of3A_1076] : memref<16x1000000xf32, #tpu.memory_space<hbm>> -> memref<16x128xf32, #tpu.memory_space<hbm>>
        tpu.enqueue_dma source(%dma_start3A_1090 : memref<16x128xf32, #tpu.memory_space<hbm>>) target(%dma_start3A_1088 : memref<16x128xf32, #tpu.memory_space<vmem>>) target_semaphore(%arg8 : memref<!tpu.dma_semaphore, #tpu.memory_space<semaphore_mem>>)
        %slice3A_1091 = vector.extract_strided_slice %shift_left3A_1005 {offsets = [5], sizes = [1], strides = [1]} : vector<16xi32> to vector<1xi32>
        %squeeze3A_1092 = vector.extract %slice3A_1091[0] : i32 from vector<1xi32>
        %multiple_of3A_1093 = tpu.assume_multiple %squeeze3A_1092, 128 : i32
        %add3A_1094 = arith.constant 5 : i32
        %add3A_1095 = arith.addi %mul3A_543, %add3A_1094 : i32
        %dma_start3A_1096 = arith.constant 0 : i32
        %dma_start3A_1097 = arith.constant 0 : i32
        %dma_start3A_1098 = tpu.memref_slice %arg6[%add3A_1095, %dma_start3A_1096, %dma_start3A_1097] : memref<32x16x128xf32, #tpu.memory_space<vmem>> -> memref<1x16x128xf32, #tpu.memory_space<vmem>>
        %dma_start3A_1099 = tpu.memref_squeeze %dma_start3A_1098 : memref<1x16x128xf32, #tpu.memory_space<vmem>> -> memref<16x128xf32, #tpu.memory_space<vmem>>
        %dma_start3A_1100 = arith.constant 0 : i32
        %dma_start3A_1101 = tpu.memref_slice %arg2[%dma_start3A_1100, %multiple_of3A_1093] : memref<16x1000000xf32, #tpu.memory_space<hbm>> -> memref<16x128xf32, #tpu.memory_space<hbm>>
        %dma_start3A_1102 = arith.constant 0 : i32
        %dma_start3A_1103 = arith.constant 0 : i32
        %dma_start3A_1104 = tpu.memref_slice %arg6[%add3A_1095, %dma_start3A_1102, %dma_start3A_1103] : memref<32x16x128xf32, #tpu.memory_space<vmem>> -> memref<1x16x128xf32, #tpu.memory_space<vmem>>
        %dma_start3A_1105 = tpu.memref_squeeze %dma_start3A_1104 : memref<1x16x128xf32, #tpu.memory_space<vmem>> -> memref<16x128xf32, #tpu.memory_space<vmem>>
        %dma_start3A_1106 = arith.constant 0 : i32
        %dma_start3A_1107 = tpu.memref_slice %arg2[%dma_start3A_1106, %multiple_of3A_1093] : memref<16x1000000xf32, #tpu.memory_space<hbm>> -> memref<16x128xf32, #tpu.memory_space<hbm>>
        tpu.enqueue_dma source(%dma_start3A_1107 : memref<16x128xf32, #tpu.memory_space<hbm>>) target(%dma_start3A_1105 : memref<16x128xf32, #tpu.memory_space<vmem>>) target_semaphore(%arg8 : memref<!tpu.dma_semaphore, #tpu.memory_space<semaphore_mem>>)
        %slice3A_1108 = vector.extract_strided_slice %shift_left3A_1005 {offsets = [6], sizes = [1], strides = [1]} : vector<16xi32> to vector<1xi32>
        %squeeze3A_1109 = vector.extract %slice3A_1108[0] : i32 from vector<1xi32>
        %multiple_of3A_1110 = tpu.assume_multiple %squeeze3A_1109, 128 : i32
        %add3A_1111 = arith.constant 6 : i32
        %add3A_1112 = arith.addi %mul3A_543, %add3A_1111 : i32
        %dma_start3A_1113 = arith.constant 0 : i32
        %dma_start3A_1114 = arith.constant 0 : i32
        %dma_start3A_1115 = tpu.memref_slice %arg6[%add3A_1112, %dma_start3A_1113, %dma_start3A_1114] : memref<32x16x128xf32, #tpu.memory_space<vmem>> -> memref<1x16x128xf32, #tpu.memory_space<vmem>>
        %dma_start3A_1116 = tpu.memref_squeeze %dma_start3A_1115 : memref<1x16x128xf32, #tpu.memory_space<vmem>> -> memref<16x128xf32, #tpu.memory_space<vmem>>
        %dma_start3A_1117 = arith.constant 0 : i32
        %dma_start3A_1118 = tpu.memref_slice %arg2[%dma_start3A_1117, %multiple_of3A_1110] : memref<16x1000000xf32, #tpu.memory_space<hbm>> -> memref<16x128xf32, #tpu.memory_space<hbm>>
        %dma_start3A_1119 = arith.constant 0 : i32
        %dma_start3A_1120 = arith.constant 0 : i32
        %dma_start3A_1121 = tpu.memref_slice %arg6[%add3A_1112, %dma_start3A_1119, %dma_start3A_1120] : memref<32x16x128xf32, #tpu.memory_space<vmem>> -> memref<1x16x128xf32, #tpu.memory_space<vmem>>
        %dma_start3A_1122 = tpu.memref_squeeze %dma_start3A_1121 : memref<1x16x128xf32, #tpu.memory_space<vmem>> -> memref<16x128xf32, #tpu.memory_space<vmem>>
        %dma_start3A_1123 = arith.constant 0 : i32
        %dma_start3A_1124 = tpu.memref_slice %arg2[%dma_start3A_1123, %multiple_of3A_1110] : memref<16x1000000xf32, #tpu.memory_space<hbm>> -> memref<16x128xf32, #tpu.memory_space<hbm>>
        tpu.enqueue_dma source(%dma_start3A_1124 : memref<16x128xf32, #tpu.memory_space<hbm>>) target(%dma_start3A_1122 : memref<16x128xf32, #tpu.memory_space<vmem>>) target_semaphore(%arg8 : memref<!tpu.dma_semaphore, #tpu.memory_space<semaphore_mem>>)
        %slice3A_1125 = vector.extract_strided_slice %shift_left3A_1005 {offsets = [7], sizes = [1], strides = [1]} : vector<16xi32> to vector<1xi32>
        %squeeze3A_1126 = vector.extract %slice3A_1125[0] : i32 from vector<1xi32>
        %multiple_of3A_1127 = tpu.assume_multiple %squeeze3A_1126, 128 : i32
        %add3A_1128 = arith.constant 7 : i32
        %add3A_1129 = arith.addi %mul3A_543, %add3A_1128 : i32
        %dma_start3A_1130 = arith.constant 0 : i32
        %dma_start3A_1131 = arith.constant 0 : i32
        %dma_start3A_1132 = tpu.memref_slice %arg6[%add3A_1129, %dma_start3A_1130, %dma_start3A_1131] : memref<32x16x128xf32, #tpu.memory_space<vmem>> -> memref<1x16x128xf32, #tpu.memory_space<vmem>>
        %dma_start3A_1133 = tpu.memref_squeeze %dma_start3A_1132 : memref<1x16x128xf32, #tpu.memory_space<vmem>> -> memref<16x128xf32, #tpu.memory_space<vmem>>
        %dma_start3A_1134 = arith.constant 0 : i32
        %dma_start3A_1135 = tpu.memref_slice %arg2[%dma_start3A_1134, %multiple_of3A_1127] : memref<16x1000000xf32, #tpu.memory_space<hbm>> -> memref<16x128xf32, #tpu.memory_space<hbm>>
        %dma_start3A_1136 = arith.constant 0 : i32
        %dma_start3A_1137 = arith.constant 0 : i32
        %dma_start3A_1138 = tpu.memref_slice %arg6[%add3A_1129, %dma_start3A_1136, %dma_start3A_1137] : memref<32x16x128xf32, #tpu.memory_space<vmem>> -> memref<1x16x128xf32, #tpu.memory_space<vmem>>
        %dma_start3A_1139 = tpu.memref_squeeze %dma_start3A_1138 : memref<1x16x128xf32, #tpu.memory_space<vmem>> -> memref<16x128xf32, #tpu.memory_space<vmem>>
        %dma_start3A_1140 = arith.constant 0 : i32
        %dma_start3A_1141 = tpu.memref_slice %arg2[%dma_start3A_1140, %multiple_of3A_1127] : memref<16x1000000xf32, #tpu.memory_space<hbm>> -> memref<16x128xf32, #tpu.memory_space<hbm>>
        tpu.enqueue_dma source(%dma_start3A_1141 : memref<16x128xf32, #tpu.memory_space<hbm>>) target(%dma_start3A_1139 : memref<16x128xf32, #tpu.memory_space<vmem>>) target_semaphore(%arg8 : memref<!tpu.dma_semaphore, #tpu.memory_space<semaphore_mem>>)
        %slice3A_1142 = vector.extract_strided_slice %shift_left3A_1005 {offsets = [8], sizes = [1], strides = [1]} : vector<16xi32> to vector<1xi32>
        %squeeze3A_1143 = vector.extract %slice3A_1142[0] : i32 from vector<1xi32>
        %multiple_of3A_1144 = tpu.assume_multiple %squeeze3A_1143, 128 : i32
        %add3A_1145 = arith.constant 8 : i32
        %add3A_1146 = arith.addi %mul3A_543, %add3A_1145 : i32
        %dma_start3A_1147 = arith.constant 0 : i32
        %dma_start3A_1148 = arith.constant 0 : i32
        %dma_start3A_1149 = tpu.memref_slice %arg6[%add3A_1146, %dma_start3A_1147, %dma_start3A_1148] : memref<32x16x128xf32, #tpu.memory_space<vmem>> -> memref<1x16x128xf32, #tpu.memory_space<vmem>>
        %dma_start3A_1150 = tpu.memref_squeeze %dma_start3A_1149 : memref<1x16x128xf32, #tpu.memory_space<vmem>> -> memref<16x128xf32, #tpu.memory_space<vmem>>
        %dma_start3A_1151 = arith.constant 0 : i32
        %dma_start3A_1152 = tpu.memref_slice %arg2[%dma_start3A_1151, %multiple_of3A_1144] : memref<16x1000000xf32, #tpu.memory_space<hbm>> -> memref<16x128xf32, #tpu.memory_space<hbm>>
        %dma_start3A_1153 = arith.constant 0 : i32
        %dma_start3A_1154 = arith.constant 0 : i32
        %dma_start3A_1155 = tpu.memref_slice %arg6[%add3A_1146, %dma_start3A_1153, %dma_start3A_1154] : memref<32x16x128xf32, #tpu.memory_space<vmem>> -> memref<1x16x128xf32, #tpu.memory_space<vmem>>
        %dma_start3A_1156 = tpu.memref_squeeze %dma_start3A_1155 : memref<1x16x128xf32, #tpu.memory_space<vmem>> -> memref<16x128xf32, #tpu.memory_space<vmem>>
        %dma_start3A_1157 = arith.constant 0 : i32
        %dma_start3A_1158 = tpu.memref_slice %arg2[%dma_start3A_1157, %multiple_of3A_1144] : memref<16x1000000xf32, #tpu.memory_space<hbm>> -> memref<16x128xf32, #tpu.memory_space<hbm>>
        tpu.enqueue_dma source(%dma_start3A_1158 : memref<16x128xf32, #tpu.memory_space<hbm>>) target(%dma_start3A_1156 : memref<16x128xf32, #tpu.memory_space<vmem>>) target_semaphore(%arg8 : memref<!tpu.dma_semaphore, #tpu.memory_space<semaphore_mem>>)
        %slice3A_1159 = vector.extract_strided_slice %shift_left3A_1005 {offsets = [9], sizes = [1], strides = [1]} : vector<16xi32> to vector<1xi32>
        %squeeze3A_1160 = vector.extract %slice3A_1159[0] : i32 from vector<1xi32>
        %multiple_of3A_1161 = tpu.assume_multiple %squeeze3A_1160, 128 : i32
        %add3A_1162 = arith.constant 9 : i32
        %add3A_1163 = arith.addi %mul3A_543, %add3A_1162 : i32
        %dma_start3A_1164 = arith.constant 0 : i32
        %dma_start3A_1165 = arith.constant 0 : i32
        %dma_start3A_1166 = tpu.memref_slice %arg6[%add3A_1163, %dma_start3A_1164, %dma_start3A_1165] : memref<32x16x128xf32, #tpu.memory_space<vmem>> -> memref<1x16x128xf32, #tpu.memory_space<vmem>>
        %dma_start3A_1167 = tpu.memref_squeeze %dma_start3A_1166 : memref<1x16x128xf32, #tpu.memory_space<vmem>> -> memref<16x128xf32, #tpu.memory_space<vmem>>
        %dma_start3A_1168 = arith.constant 0 : i32
        %dma_start3A_1169 = tpu.memref_slice %arg2[%dma_start3A_1168, %multiple_of3A_1161] : memref<16x1000000xf32, #tpu.memory_space<hbm>> -> memref<16x128xf32, #tpu.memory_space<hbm>>
        %dma_start3A_1170 = arith.constant 0 : i32
        %dma_start3A_1171 = arith.constant 0 : i32
        %dma_start3A_1172 = tpu.memref_slice %arg6[%add3A_1163, %dma_start3A_1170, %dma_start3A_1171] : memref<32x16x128xf32, #tpu.memory_space<vmem>> -> memref<1x16x128xf32, #tpu.memory_space<vmem>>
        %dma_start3A_1173 = tpu.memref_squeeze %dma_start3A_1172 : memref<1x16x128xf32, #tpu.memory_space<vmem>> -> memref<16x128xf32, #tpu.memory_space<vmem>>
        %dma_start3A_1174 = arith.constant 0 : i32
        %dma_start3A_1175 = tpu.memref_slice %arg2[%dma_start3A_1174, %multiple_of3A_1161] : memref<16x1000000xf32, #tpu.memory_space<hbm>> -> memref<16x128xf32, #tpu.memory_space<hbm>>
        tpu.enqueue_dma source(%dma_start3A_1175 : memref<16x128xf32, #tpu.memory_space<hbm>>) target(%dma_start3A_1173 : memref<16x128xf32, #tpu.memory_space<vmem>>) target_semaphore(%arg8 : memref<!tpu.dma_semaphore, #tpu.memory_space<semaphore_mem>>)
        %slice3A_1176 = vector.extract_strided_slice %shift_left3A_1005 {offsets = [10], sizes = [1], strides = [1]} : vector<16xi32> to vector<1xi32>
        %squeeze3A_1177 = vector.extract %slice3A_1176[0] : i32 from vector<1xi32>
        %multiple_of3A_1178 = tpu.assume_multiple %squeeze3A_1177, 128 : i32
        %add3A_1179 = arith.constant 10 : i32
        %add3A_1180 = arith.addi %mul3A_543, %add3A_1179 : i32
        %dma_start3A_1181 = arith.constant 0 : i32
        %dma_start3A_1182 = arith.constant 0 : i32
        %dma_start3A_1183 = tpu.memref_slice %arg6[%add3A_1180, %dma_start3A_1181, %dma_start3A_1182] : memref<32x16x128xf32, #tpu.memory_space<vmem>> -> memref<1x16x128xf32, #tpu.memory_space<vmem>>
        %dma_start3A_1184 = tpu.memref_squeeze %dma_start3A_1183 : memref<1x16x128xf32, #tpu.memory_space<vmem>> -> memref<16x128xf32, #tpu.memory_space<vmem>>
        %dma_start3A_1185 = arith.constant 0 : i32
        %dma_start3A_1186 = tpu.memref_slice %arg2[%dma_start3A_1185, %multiple_of3A_1178] : memref<16x1000000xf32, #tpu.memory_space<hbm>> -> memref<16x128xf32, #tpu.memory_space<hbm>>
        %dma_start3A_1187 = arith.constant 0 : i32
        %dma_start3A_1188 = arith.constant 0 : i32
        %dma_start3A_1189 = tpu.memref_slice %arg6[%add3A_1180, %dma_start3A_1187, %dma_start3A_1188] : memref<32x16x128xf32, #tpu.memory_space<vmem>> -> memref<1x16x128xf32, #tpu.memory_space<vmem>>
        %dma_start3A_1190 = tpu.memref_squeeze %dma_start3A_1189 : memref<1x16x128xf32, #tpu.memory_space<vmem>> -> memref<16x128xf32, #tpu.memory_space<vmem>>
        %dma_start3A_1191 = arith.constant 0 : i32
        %dma_start3A_1192 = tpu.memref_slice %arg2[%dma_start3A_1191, %multiple_of3A_1178] : memref<16x1000000xf32, #tpu.memory_space<hbm>> -> memref<16x128xf32, #tpu.memory_space<hbm>>
        tpu.enqueue_dma source(%dma_start3A_1192 : memref<16x128xf32, #tpu.memory_space<hbm>>) target(%dma_start3A_1190 : memref<16x128xf32, #tpu.memory_space<vmem>>) target_semaphore(%arg8 : memref<!tpu.dma_semaphore, #tpu.memory_space<semaphore_mem>>)
        %slice3A_1193 = vector.extract_strided_slice %shift_left3A_1005 {offsets = [11], sizes = [1], strides = [1]} : vector<16xi32> to vector<1xi32>
        %squeeze3A_1194 = vector.extract %slice3A_1193[0] : i32 from vector<1xi32>
        %multiple_of3A_1195 = tpu.assume_multiple %squeeze3A_1194, 128 : i32
        %add3A_1196 = arith.constant 11 : i32
        %add3A_1197 = arith.addi %mul3A_543, %add3A_1196 : i32
        %dma_start3A_1198 = arith.constant 0 : i32
        %dma_start3A_1199 = arith.constant 0 : i32
        %dma_start3A_1200 = tpu.memref_slice %arg6[%add3A_1197, %dma_start3A_1198, %dma_start3A_1199] : memref<32x16x128xf32, #tpu.memory_space<vmem>> -> memref<1x16x128xf32, #tpu.memory_space<vmem>>
        %dma_start3A_1201 = tpu.memref_squeeze %dma_start3A_1200 : memref<1x16x128xf32, #tpu.memory_space<vmem>> -> memref<16x128xf32, #tpu.memory_space<vmem>>
        %dma_start3A_1202 = arith.constant 0 : i32
        %dma_start3A_1203 = tpu.memref_slice %arg2[%dma_start3A_1202, %multiple_of3A_1195] : memref<16x1000000xf32, #tpu.memory_space<hbm>> -> memref<16x128xf32, #tpu.memory_space<hbm>>
        %dma_start3A_1204 = arith.constant 0 : i32
        %dma_start3A_1205 = arith.constant 0 : i32
        %dma_start3A_1206 = tpu.memref_slice %arg6[%add3A_1197, %dma_start3A_1204, %dma_start3A_1205] : memref<32x16x128xf32, #tpu.memory_space<vmem>> -> memref<1x16x128xf32, #tpu.memory_space<vmem>>
        %dma_start3A_1207 = tpu.memref_squeeze %dma_start3A_1206 : memref<1x16x128xf32, #tpu.memory_space<vmem>> -> memref<16x128xf32, #tpu.memory_space<vmem>>
        %dma_start3A_1208 = arith.constant 0 : i32
        %dma_start3A_1209 = tpu.memref_slice %arg2[%dma_start3A_1208, %multiple_of3A_1195] : memref<16x1000000xf32, #tpu.memory_space<hbm>> -> memref<16x128xf32, #tpu.memory_space<hbm>>
        tpu.enqueue_dma source(%dma_start3A_1209 : memref<16x128xf32, #tpu.memory_space<hbm>>) target(%dma_start3A_1207 : memref<16x128xf32, #tpu.memory_space<vmem>>) target_semaphore(%arg8 : memref<!tpu.dma_semaphore, #tpu.memory_space<semaphore_mem>>)
        %slice3A_1210 = vector.extract_strided_slice %shift_left3A_1005 {offsets = [12], sizes = [1], strides = [1]} : vector<16xi32> to vector<1xi32>
        %squeeze3A_1211 = vector.extract %slice3A_1210[0] : i32 from vector<1xi32>
        %multiple_of3A_1212 = tpu.assume_multiple %squeeze3A_1211, 128 : i32
        %add3A_1213 = arith.constant 12 : i32
        %add3A_1214 = arith.addi %mul3A_543, %add3A_1213 : i32
        %dma_start3A_1215 = arith.constant 0 : i32
        %dma_start3A_1216 = arith.constant 0 : i32
        %dma_start3A_1217 = tpu.memref_slice %arg6[%add3A_1214, %dma_start3A_1215, %dma_start3A_1216] : memref<32x16x128xf32, #tpu.memory_space<vmem>> -> memref<1x16x128xf32, #tpu.memory_space<vmem>>
        %dma_start3A_1218 = tpu.memref_squeeze %dma_start3A_1217 : memref<1x16x128xf32, #tpu.memory_space<vmem>> -> memref<16x128xf32, #tpu.memory_space<vmem>>
        %dma_start3A_1219 = arith.constant 0 : i32
        %dma_start3A_1220 = tpu.memref_slice %arg2[%dma_start3A_1219, %multiple_of3A_1212] : memref<16x1000000xf32, #tpu.memory_space<hbm>> -> memref<16x128xf32, #tpu.memory_space<hbm>>
        %dma_start3A_1221 = arith.constant 0 : i32
        %dma_start3A_1222 = arith.constant 0 : i32
        %dma_start3A_1223 = tpu.memref_slice %arg6[%add3A_1214, %dma_start3A_1221, %dma_start3A_1222] : memref<32x16x128xf32, #tpu.memory_space<vmem>> -> memref<1x16x128xf32, #tpu.memory_space<vmem>>
        %dma_start3A_1224 = tpu.memref_squeeze %dma_start3A_1223 : memref<1x16x128xf32, #tpu.memory_space<vmem>> -> memref<16x128xf32, #tpu.memory_space<vmem>>
        %dma_start3A_1225 = arith.constant 0 : i32
        %dma_start3A_1226 = tpu.memref_slice %arg2[%dma_start3A_1225, %multiple_of3A_1212] : memref<16x1000000xf32, #tpu.memory_space<hbm>> -> memref<16x128xf32, #tpu.memory_space<hbm>>
        tpu.enqueue_dma source(%dma_start3A_1226 : memref<16x128xf32, #tpu.memory_space<hbm>>) target(%dma_start3A_1224 : memref<16x128xf32, #tpu.memory_space<vmem>>) target_semaphore(%arg8 : memref<!tpu.dma_semaphore, #tpu.memory_space<semaphore_mem>>)
        %slice3A_1227 = vector.extract_strided_slice %shift_left3A_1005 {offsets = [13], sizes = [1], strides = [1]} : vector<16xi32> to vector<1xi32>
        %squeeze3A_1228 = vector.extract %slice3A_1227[0] : i32 from vector<1xi32>
        %multiple_of3A_1229 = tpu.assume_multiple %squeeze3A_1228, 128 : i32
        %add3A_1230 = arith.constant 13 : i32
        %add3A_1231 = arith.addi %mul3A_543, %add3A_1230 : i32
        %dma_start3A_1232 = arith.constant 0 : i32
        %dma_start3A_1233 = arith.constant 0 : i32
        %dma_start3A_1234 = tpu.memref_slice %arg6[%add3A_1231, %dma_start3A_1232, %dma_start3A_1233] : memref<32x16x128xf32, #tpu.memory_space<vmem>> -> memref<1x16x128xf32, #tpu.memory_space<vmem>>
        %dma_start3A_1235 = tpu.memref_squeeze %dma_start3A_1234 : memref<1x16x128xf32, #tpu.memory_space<vmem>> -> memref<16x128xf32, #tpu.memory_space<vmem>>
        %dma_start3A_1236 = arith.constant 0 : i32
        %dma_start3A_1237 = tpu.memref_slice %arg2[%dma_start3A_1236, %multiple_of3A_1229] : memref<16x1000000xf32, #tpu.memory_space<hbm>> -> memref<16x128xf32, #tpu.memory_space<hbm>>
        %dma_start3A_1238 = arith.constant 0 : i32
        %dma_start3A_1239 = arith.constant 0 : i32
        %dma_start3A_1240 = tpu.memref_slice %arg6[%add3A_1231, %dma_start3A_1238, %dma_start3A_1239] : memref<32x16x128xf32, #tpu.memory_space<vmem>> -> memref<1x16x128xf32, #tpu.memory_space<vmem>>
        %dma_start3A_1241 = tpu.memref_squeeze %dma_start3A_1240 : memref<1x16x128xf32, #tpu.memory_space<vmem>> -> memref<16x128xf32, #tpu.memory_space<vmem>>
        %dma_start3A_1242 = arith.constant 0 : i32
        %dma_start3A_1243 = tpu.memref_slice %arg2[%dma_start3A_1242, %multiple_of3A_1229] : memref<16x1000000xf32, #tpu.memory_space<hbm>> -> memref<16x128xf32, #tpu.memory_space<hbm>>
        tpu.enqueue_dma source(%dma_start3A_1243 : memref<16x128xf32, #tpu.memory_space<hbm>>) target(%dma_start3A_1241 : memref<16x128xf32, #tpu.memory_space<vmem>>) target_semaphore(%arg8 : memref<!tpu.dma_semaphore, #tpu.memory_space<semaphore_mem>>)
        %slice3A_1244 = vector.extract_strided_slice %shift_left3A_1005 {offsets = [14], sizes = [1], strides = [1]} : vector<16xi32> to vector<1xi32>
        %squeeze3A_1245 = vector.extract %slice3A_1244[0] : i32 from vector<1xi32>
        %multiple_of3A_1246 = tpu.assume_multiple %squeeze3A_1245, 128 : i32
        %add3A_1247 = arith.constant 14 : i32
        %add3A_1248 = arith.addi %mul3A_543, %add3A_1247 : i32
        %dma_start3A_1249 = arith.constant 0 : i32
        %dma_start3A_1250 = arith.constant 0 : i32
        %dma_start3A_1251 = tpu.memref_slice %arg6[%add3A_1248, %dma_start3A_1249, %dma_start3A_1250] : memref<32x16x128xf32, #tpu.memory_space<vmem>> -> memref<1x16x128xf32, #tpu.memory_space<vmem>>
        %dma_start3A_1252 = tpu.memref_squeeze %dma_start3A_1251 : memref<1x16x128xf32, #tpu.memory_space<vmem>> -> memref<16x128xf32, #tpu.memory_space<vmem>>
        %dma_start3A_1253 = arith.constant 0 : i32
        %dma_start3A_1254 = tpu.memref_slice %arg2[%dma_start3A_1253, %multiple_of3A_1246] : memref<16x1000000xf32, #tpu.memory_space<hbm>> -> memref<16x128xf32, #tpu.memory_space<hbm>>
        %dma_start3A_1255 = arith.constant 0 : i32
        %dma_start3A_1256 = arith.constant 0 : i32
        %dma_start3A_1257 = tpu.memref_slice %arg6[%add3A_1248, %dma_start3A_1255, %dma_start3A_1256] : memref<32x16x128xf32, #tpu.memory_space<vmem>> -> memref<1x16x128xf32, #tpu.memory_space<vmem>>
        %dma_start3A_1258 = tpu.memref_squeeze %dma_start3A_1257 : memref<1x16x128xf32, #tpu.memory_space<vmem>> -> memref<16x128xf32, #tpu.memory_space<vmem>>
        %dma_start3A_1259 = arith.constant 0 : i32
        %dma_start3A_1260 = tpu.memref_slice %arg2[%dma_start3A_1259, %multiple_of3A_1246] : memref<16x1000000xf32, #tpu.memory_space<hbm>> -> memref<16x128xf32, #tpu.memory_space<hbm>>
        tpu.enqueue_dma source(%dma_start3A_1260 : memref<16x128xf32, #tpu.memory_space<hbm>>) target(%dma_start3A_1258 : memref<16x128xf32, #tpu.memory_space<vmem>>) target_semaphore(%arg8 : memref<!tpu.dma_semaphore, #tpu.memory_space<semaphore_mem>>)
        %slice3A_1261 = vector.extract_strided_slice %shift_left3A_1005 {offsets = [15], sizes = [1], strides = [1]} : vector<16xi32> to vector<1xi32>
        %squeeze3A_1262 = vector.extract %slice3A_1261[0] : i32 from vector<1xi32>
        %multiple_of3A_1263 = tpu.assume_multiple %squeeze3A_1262, 128 : i32
        %add3A_1264 = arith.constant 15 : i32
        %add3A_1265 = arith.addi %mul3A_543, %add3A_1264 : i32
        %dma_start3A_1266 = arith.constant 0 : i32
        %dma_start3A_1267 = arith.constant 0 : i32
        %dma_start3A_1268 = tpu.memref_slice %arg6[%add3A_1265, %dma_start3A_1266, %dma_start3A_1267] : memref<32x16x128xf32, #tpu.memory_space<vmem>> -> memref<1x16x128xf32, #tpu.memory_space<vmem>>
        %dma_start3A_1269 = tpu.memref_squeeze %dma_start3A_1268 : memref<1x16x128xf32, #tpu.memory_space<vmem>> -> memref<16x128xf32, #tpu.memory_space<vmem>>
        %dma_start3A_1270 = arith.constant 0 : i32
        %dma_start3A_1271 = tpu.memref_slice %arg2[%dma_start3A_1270, %multiple_of3A_1263] : memref<16x1000000xf32, #tpu.memory_space<hbm>> -> memref<16x128xf32, #tpu.memory_space<hbm>>
        %dma_start3A_1272 = arith.constant 0 : i32
        %dma_start3A_1273 = arith.constant 0 : i32
        %dma_start3A_1274 = tpu.memref_slice %arg6[%add3A_1265, %dma_start3A_1272, %dma_start3A_1273] : memref<32x16x128xf32, #tpu.memory_space<vmem>> -> memref<1x16x128xf32, #tpu.memory_space<vmem>>
        %dma_start3A_1275 = tpu.memref_squeeze %dma_start3A_1274 : memref<1x16x128xf32, #tpu.memory_space<vmem>> -> memref<16x128xf32, #tpu.memory_space<vmem>>
        %dma_start3A_1276 = arith.constant 0 : i32
        %dma_start3A_1277 = tpu.memref_slice %arg2[%dma_start3A_1276, %multiple_of3A_1263] : memref<16x1000000xf32, #tpu.memory_space<hbm>> -> memref<16x128xf32, #tpu.memory_space<hbm>>
        tpu.enqueue_dma source(%dma_start3A_1277 : memref<16x128xf32, #tpu.memory_space<hbm>>) target(%dma_start3A_1275 : memref<16x128xf32, #tpu.memory_space<vmem>>) target_semaphore(%arg8 : memref<!tpu.dma_semaphore, #tpu.memory_space<semaphore_mem>>)
      } else {
      }
    }
    %scan3A_527 = arith.constant 32 : i32
    "tpu.region"() ({
      %run_scoped3A = tpu.sem_alloc : memref<!tpu.dma_semaphore, #tpu.memory_space<semaphore_mem>>
      %dma_start3A_528 = arith.constant 0 : i32
      %dma_start3A_529 = tpu.memref_slice %arg4[%dma_start3A_528, %mul3A_2] : memref<16x16384xf32, #tpu.memory_space<hbm>> -> memref<16x512xf32, #tpu.memory_space<hbm>>
      %dma_start3A_530 = arith.constant 0 : i32
      %dma_start3A_531 = tpu.memref_slice %arg4[%dma_start3A_530, %mul3A_2] : memref<16x16384xf32, #tpu.memory_space<hbm>> -> memref<16x512xf32, #tpu.memory_space<hbm>>
      tpu.enqueue_dma source(%arg7 : memref<16x512xf32, #tpu.memory_space<vmem>>) target(%dma_start3A_531 : memref<16x512xf32, #tpu.memory_space<hbm>>) target_semaphore(%run_scoped3A : memref<!tpu.dma_semaphore, #tpu.memory_space<semaphore_mem>>)
      %dma_wait3A = arith.constant 0 : i32
      %dma_wait3A_532 = tpu.memref_slice %arg4[%dma_wait3A, %mul3A_2] : memref<16x16384xf32, #tpu.memory_space<hbm>> -> memref<16x512xf32, #tpu.memory_space<hbm>>
      %dma_wait3A_533 = arith.constant 0 : i32
      %dma_wait3A_534 = tpu.memref_slice %arg4[%dma_wait3A_533, %mul3A_2] : memref<16x16384xf32, #tpu.memory_space<hbm>> -> memref<16x512xf32, #tpu.memory_space<hbm>>
      tpu.wait_dma2 semaphore(%run_scoped3A : memref<!tpu.dma_semaphore, #tpu.memory_space<semaphore_mem>>) src(%arg7 : memref<16x512xf32, #tpu.memory_space<vmem>>) dst(%dma_wait3A_534 : memref<16x512xf32, #tpu.memory_space<hbm>>)
      tpu.yield
    }) : () -> ()
    return
  }
}

</mosaic_0001>

<sc_bundles>
// kernel: kernel.3.cloned.1.call-start
scs
__scs_entry_jumppad:
0x0: {  	(pc) =	sbr.rel $0x88, $3  }
0x1: {  	(tag) =	ssettag $0x0;
	lr =	simm.s32 $0x1  }
0x2: {  	[smem:$0x3F9F] =	sst lr;
	_ =	strace $0xD0000000  }
0x3: {  	_ = 	snop  }
0x4: {  	_ = 	snop  }
0x5: {  	_ = 	snop  }
0x6: {  	_ = 	snop  }
0x7: {  	_ = 	snop  }
__scs_overlays_trampoline_lowered:
0x8: {  	[smem:$0x3FAE] =	sst s0  }
0x9: {  	[smem:$0x3FAF] =	sst s1  }
0xa: {  	[smem:$0x3FB0] =	sst s2  }
0xb: {  	[smem:$0x3FB1] =	sst s3  }
0xc: {  	[smem:$0x3FB2] =	sst s4  }
0xd: {  	[smem:$0x3FB3] =	sst s5  }
0xe: {  	[smem:$0x3FB4] =	sst s6  }
0xf: {  	[smem:$0x3FB5] =	sst s7  }
0x10: {  	[smem:$0x3FB6] =	sst s8  }
0x11: {  	[smem:$0x3FB7] =	sst s9;
	s0 =	simm.s32 @!p0 $0x0  }
0x12: {  	s1 =	sld [smem:$0x3F9D];
	s0 =	simm.s32 @p0 $0x1  }
0x13: {  	[smem:$0x3FB8] =	sst s0;
	s0 =	simm.s32 @!p1 $0x0  }
0x14: {  	s2 =	sld [smem:$0x3F9C];
	s0 =	simm.s32 @p1 $0x1  }
0x15: {  	[smem:$0x3FB9] =	sst s0;
	s0 =	simm.s32 @!p2 $0x0  }
0x16: {  	s3 =	sld [smem:$0x3FDB];
	s0 =	simm.s32 @p2 $0x1  }
0x17: {  	s4 =	simm.s32 $0x1BF5;
	[smem:$0x3FBB] =	sst s0  }
0x18: {  	s0 =	sld [smem:$0x3F9E];
	_ =	swait.ge [sflag:s4], $0x0  }
0x19: {  	s7 =	sld [smem:$0x3F9F]  }
0x1a: {  	s8 =	sadd.s32 $0xFFFFE003, lr  }
0x1b: {  	s9 =	sadd.s32 $0xFFFFFEF7, lr;
	s5 =	simm.s32 $0xFFFFFFFF;
	p2 =	slt.u32 s8, $0xFFFFF086  }
0x1c: {  	p1 =	slt.u32 s9, $0xF7A;
	s5 =	simm.s32 @!p2 $0x0  }
0x1d: {  	s5 =	simm.s32 @p1 $0x1;
	p0 =	seq.s32 s7, s2  }
0x1e: {  	s7 =	smul.u32 @!p0 $0xF7A, s2;
	p2 =	seq.s32 @!p0 s5, $0x0  }
0x1f: {  	s9 =	smul.u32 $0xF7A, s1;
	s8 =	simm.s32 @!p0 $0x1BF5;
	p2 =	por !p2, p0  }
0x20: {  	[sflag:s8] =	ssyncset.s32 @!p0 $0xFFFFF086;
	s6 =	sadd.s32 @!p0 s3, s7;
	s7 =	simm.s32 @!p0 $0x108  }
0x21: {  	s3 =	sadd.s32 s3, s9;
	s6 =	sadd.s32 @!p0 $0x88, s6;
	s7 =	simm.s32 @p2 $0x1082  }
0x22: {  	[simem:s7], [sflag:s8] =	dma.local @!p0 [hbm:s6], $0xF7A  }
0x23: {  	s9 =	sor.u32 $0xD0000000, s2;
	s6 =	simm.s32 $0x108;
	_ =	swait.ge @!p0 [sflag:s8], $0x0  }
0x24: {  	s3 =	sadd.s32 $0x88, s3;
	s6 =	simm.s32 @!p1 $0x1082;
	[sflag:s4] =	ssyncset.s32 $0xFFFFF086  }
0x25: {  	[simem:s6], [sflag:s4] =	dma.local [hbm:s3], $0xF7A  }
0x26: {  	[smem:$0x3F9F] =	sst s1;
	(tag) =	ssettag s2;
	_ =	strace s9  }
0x27: {  	s1 =	sld [smem:$0x3FAF]  }
0x28: {  	s2 =	sld [smem:$0x3FB0]  }
0x29: {  	s4 =	sld [smem:$0x3FB2]  }
0x2a: {  	p0 =	seq.s32 s5, $0x0;
	s5 =	sld [smem:$0x3FB3]  }
0x2b: {  	s6 =	sld [smem:$0x3FB4]  }
0x2c: {  	s7 =	sld [smem:$0x3FB5]  }
0x2d: {  	s3 =	simm.s32 $0x108;
	s8 =	sld [smem:$0x3FB6]  }
0x2e: {  	s3 =	simm.s32 @!p0 $0x1082;
	s9 =	sld [smem:$0x3FB7]  }
0x2f: {  	lr =	sadd.s32 s0, s3;
	s0 =	sld [smem:$0x3FAE]  }
0x30: {  	s3 =	sld [smem:$0x3FB1]  }
0x31: {  	[smem:$0x3FBA] =	sst s10  }
0x32: {  	s10 =	sld [smem:$0x3FB8];
	_ =	sdelay $0x3  }
0x33: {  	p0 =	seq.s32 s10, $0x1;
	s10 =	sld [smem:$0x3FBA];
	_ =	sdelay $0x3  }
0x34: {  	[smem:$0x3FBA] =	sst s10  }
0x35: {  	s10 =	sld [smem:$0x3FB9];
	_ =	sdelay $0x3  }
0x36: {  	p1 =	seq.s32 s10, $0x1;
	s10 =	sld [smem:$0x3FBA];
	_ =	sdelay $0x3  }
0x37: {  	[smem:$0x3FBA] =	sst s10  }
0x38: {  	s10 =	sld [smem:$0x3FBB]  }
0x39: {  	_ = 	snop;
	(pc) =	sbr.ind lr, $3  }
0x3a: {  	_ = 	snop  }
0x3b: {  	_ = 	snop  }
0x3c: {  	p2 =	seq.s32 s10, $0x1;
	s10 =	sld [smem:$0x3FBA]  }
0x3d: {  	_ =	shalt  }
0x3e: {  	_ =	shalt  }
0x3f: {  	_ =	shalt  }
0x40: {  	_ =	shalt  }
0x41: {  	_ =	shalt  }
0x42: {  	_ =	shalt  }
0x43: {  	_ =	shalt  }
0x44: {  	_ =	shalt  }
0x45: {  	_ =	shalt  }
0x46: {  	_ =	shalt  }
0x47: {  	_ =	shalt  }
0x48: {  	_ =	shalt  }
0x49: {  	_ =	shalt  }
0x4a: {  	_ =	shalt  }
0x4b: {  	_ =	shalt  }
0x4c: {  	_ =	shalt  }
0x4d: {  	_ =	shalt  }
0x4e: {  	_ =	shalt  }
0x4f: {  	_ =	shalt  }
0x50: {  	_ =	shalt  }
0x51: {  	_ =	shalt  }
0x52: {  	_ =	shalt  }
0x53: {  	_ =	shalt  }
0x54: {  	_ =	shalt  }
0x55: {  	_ =	shalt  }
0x56: {  	_ =	shalt  }
0x57: {  	_ =	shalt  }
0x58: {  	_ =	shalt  }
0x59: {  	_ =	shalt  }
0x5a: {  	_ =	shalt  }
0x5b: {  	_ =	shalt  }
0x5c: {  	_ =	shalt  }
0x5d: {  	_ =	shalt  }
0x5e: {  	_ =	shalt  }
0x5f: {  	_ =	shalt  }
0x60: {  	_ =	shalt  }
0x61: {  	_ =	shalt  }
0x62: {  	_ =	shalt  }
0x63: {  	_ =	shalt  }
0x64: {  	_ =	shalt  }
0x65: {  	_ =	shalt  }
0x66: {  	_ =	shalt  }
0x67: {  	_ =	shalt  }
0x68: {  	_ =	shalt  }
0x69: {  	_ =	shalt  }
0x6a: {  	_ =	shalt  }
0x6b: {  	_ =	shalt  }
0x6c: {  	_ =	shalt  }
0x6d: {  	_ =	shalt  }
0x6e: {  	_ =	shalt  }
0x6f: {  	_ =	shalt  }
0x70: {  	_ =	shalt  }
0x71: {  	_ =	shalt  }
0x72: {  	_ =	shalt  }
0x73: {  	_ =	shalt  }
0x74: {  	_ =	shalt  }
0x75: {  	_ =	shalt  }
0x76: {  	_ =	shalt  }
0x77: {  	_ =	shalt  }
0x78: {  	_ =	shalt  }
0x79: {  	_ =	shalt  }
0x7a: {  	_ =	shalt  }
0x7b: {  	_ =	shalt  }
0x7c: {  	_ =	shalt  }
0x7d: {  	_ =	shalt  }
0x7e: {  	_ =	shalt  }
0x7f: {  	_ =	shalt  }
0x80: {  	_ =	shalt  }
0x81: {  	_ =	shalt  }
0x82: {  	_ =	shalt  }
0x83: {  	_ =	shalt  }
0x84: {  	_ =	shalt  }
0x85: {  	_ =	shalt  }
0x86: {  	_ =	shalt  }
0x87: {  	_ =	shalt  }
.Lfunc_end0:
.L_simem_size_0:
called_computation_lowered:
.L_overlay_start_0:
0x88: {  	s2 =	sld [smem:$0x3FD9]  }
0x89: {  	s3 =	sld [smem:$0x3FFE];
	_ =	sdelay $0x1  }
0x8a: {  	s1 =	srdreg.scid  }
0x8b: {  	s0 =	sand.u32 $0x1, s1  }
0x8c: {  	s18 =	sshll.u32 s0, $0xA;
	s2 =	sadd.s32 s3, s2  }
0x8d: {  	s2 =	sadd.s32 s2, s18  }
0x8e: {  	[smem:$0x3FC6] =	sst s2  }
0x8f: {  	_ = 	snop  }
0x90: {  	s2 =	sld [smem:$0x3FC9]  }
0x91: {  	s19 =	sld [smem:$0x3FC8]  }
0x92: {  	s4 =	sld [smem:$0x3FD0];
	(tm) =	ssettm $0x1  }
0x93: {  	s5 =	sld [smem:$0x3FFB];
	_ =	sdelay $0x3  }
0x94: {  	_ =	strace s5  }
0x95: {  	s5 =	sld [smem:$0x3FFC];
	_ =	sdelay $0x3  }
0x96: {  	_ =	strace s5  }
0x97: {  	s5 =	sld [smem:$0x3FFD];
	_ =	sdelay $0x3  }
0x98: {  	_ =	strace s5  }
0x99: {  	_ =	strace $0x8FFFFFFF  }
0x9a: {  	s20 =	sld [smem:$0x3FDB];
	_ =	sdelay $0x1  }
0x9b: {  	s6 =	simm.s32 $_scs_section_size  }
0x9c: {  	s7 =	simm.s32 $_size__tile_overlayer_lowered;
	s8 =	simm.s32 $_tile_overlayer_lowered  }
0x9d: {  	s23 =	simm.s32 $0x1BFF;
	s22 =	sshll.u32 s8, $0x1;
	s5 =	sadd.s32 s6, s20  }
0x9e: {  	s9 =	simm.s32 $0x0;
	s21 =	sshll.u32 s7, $0x1;
	s7 =	sadd.s32 s22, s5  }
0x9f: {  	[timem:s9], [sflag:s23] =	dma.local [hbm:s7], s21  }
0xa0: {  	_ =	swait.ge [sflag:s23], s21  }
0xa1: {  	s6 =	ssub.s32 $0x0, s21;
	[sflag:s23] =	ssyncset.done $0x0  }
0xa2: {  	[sflag:s23] =	ssyncadd.s32 s6;
	_ =	sdelay $0x1  }
0xa3: {  	s24 =	simm.s32 $0x1B8B  }
0xa4: {  	_ =	swait.ge [sflag:s24], $0x1  }
0xa5: {  	[sflag:s24] =	ssyncset.done $0x0  }
0xa6: {  	s25 =	simm.s32 $0x1B8E;
	[sflag:s24] =	ssyncadd.s32 $0xFFFFFFFF  }
0xa7: {  	s26 =	simm.s32 $execute0_lowered;
	[smem:$0x3FD2] =	sst s25  }
0xa8: {  	s6 =	sshll.u32 s26, $0x1;
	_ =	strace $0x80000046;
	[dreg:$0x1] =	wrdreg $0xFFFFFFFF  }
0xa9: {  	s28 =	simm.s32 $_size_execute0_lowered;
	s5 =	sadd.s32 s5, s6;
	[dreg:$0x0] =	wrdreg $0x0  }
0xaa: {  	s6 =	sshll.u32 s28, $0x1;
	[dreg:$0x2] =	wrdreg s5  }
0xab: {  	[dreg:$0x3] =	wrdreg s6  }
0xac: {  	[dreg:$0x4] =	wrdreg $0xC0  }
0xad: {  	_ =	task [dreg:s9], $0x5FFFF  }
0xae: {  	[dreg:$0x1] =	wrdreg $0xFFFFFFFF  }
0xaf: {  	[dreg:$0x0] =	wrdreg $0x60  }
0xb0: {  	[dreg:$0x2] =	wrdreg s19  }
0xb1: {  	[dreg:$0x3] =	wrdreg s2  }
0xb2: {  	[dreg:$0x4] =	wrdreg s4  }
0xb3: {  	[dreg:$0x5] =	wrdreg $0x9  }
0xb4: {  	_ =	task.clear_ibuf [dreg:s9], $0x6FFFF;
	_ =	strace $0x90000046  }
0xb5: {  	s29 =	simm.s32 $0x9;
	_ =	strace $0x80000048  }
0xb6: {  	_ =	swait.ge [sflag:s29], $0x1  }
0xb7: {  	[sflag:s29] =	ssyncadd.s32 $0xFFFFFFFF  }
0xb8: {  	_ =	strace $0x90000048  }
0xb9: {  	_ =	sfence  }
0xba: {  	s30 =	sld [smem:$0x0];
	_ =	sdelay $0x2  }
0xbb: {  	s31 =	sshll.u32 s1, $0xD;
	s1 =	sshrl.u32 s1, $0x2  }
0xbc: {  	s3 =	sand.u32 $0x4000, s31;
	s1 =	sadd.s32 s1, s30  }
0xbd: {  	s0 =	sor.u32 s3, s0;
	s1 =	sshll.u32 s1, $0x11  }
0xbe: {  	s0 =	sor.u32 s1, s0  }
0xbf: {  	s0 =	sadd.s32 $0x8F2B, s0  }
0xc0: {  	[sflag:s0] =	ssyncadd.remote.s32 $0x1  }
0xc1: {  	_ =	sfence.sel $0xFFFF  }
0xc2: {  	[dreg:$0x0] =	wrdreg $0xFFFFFFFF;
	(pc) =	sbr.abs _section_cstart, $3  }
0xc3: {  	[dreg:$0x1] =	wrdreg $0xFFFFFFFF  }
0xc4: {  	_ =	task.clear_ibuf [dreg:s9], $0x2FFFF;
	_ =	strace $0x9FFFFFFF  }
0xc5: {  	(tm) =	ssettm $0x7FFFFFFF  }
tec
execute0_lowered:
.L_overlay_start_1:
0x0: {  	(tag) =	ssettag $0x1  }
0x1: {  	s2 =	rddreg [dreg:$0x0]  }
0x2: {  	s0 =	rddreg [dreg:$0x1]  }
0x3: {  	s1 =	srdreg.scid;
	s3 =	rddreg [dreg:$0x2]  }
0x4: {  	s4 =	stileid.u32;
	s6 =	simm.s32 $0x0;
	s7 =	simm.s32 $0x2  }
0x5: {  	s8 =	simm.s32 $0x400;
	s9 =	simm.s32 $0x7A1400;
	s10 =	simm.s32 $0x200  }
0x6: {  	s11 =	simm.s32 $0xC200;
	s12 =	simm.s32 $0xCA00;
	s13 =	simm.s32 $0xD200  }
0x7: {  	s14 =	simm.s32 $0xDA00;
	s15 =	simm.s32 $0xE200;
	s16 =	simm.s32 $0xEA00  }
0x8: {  	s17 =	simm.s32 $0xF200;
	s18 =	simm.s32 $0xFA00;
	s19 =	simm.s32 $0x1  }
0x9: {  	s20 =	simm.s32 $0x1000;
	s21 =	simm.s32 $0x20000;
	s22 =	simm.s32 $0x10200  }
0xa: {  	s23 =	simm.s32 $0x0;
	s1 =	sand.u32 $0x1, s1;
	s4 =	sshll.u32 s4, $0xA  }
.Ltmp0:
0xb: {  	s5 =	sshll.u32 s1, $0x9;
	s1 =	ssub.s32 $0x2, s1;
	(pc) =	sbr.rel .LBB2_1-.Ltmp0, $4  }
0xc: {  	[smem:$0x7FF] =	sst s6;
	s5 =	sor.u32 s5, s4;
	s30 =	sshrl.u32 s1, $0x1  }
0xd: {  	_ =	strace $0x80000047;
	s31 =	sshrl.u32 s5, $0x3;
	s1 =	ssub.s32 s1, s30  }
0xe: {  	v0 =	vlaneseq.u32;
	s5 =	sadd.s32 s3, s5;
	s3 =	simm.s32 $0xBA00;
	s4 =	sadd.s32 s0, s31  }
0xf: {  	v0 =	vmul.u32 $0x800, v0;
	s6 =	smax.u32 s1, $0x1;
	s0 =	simm.s32 $0xAA00;
	s1 =	simm.s32 $0xB200  }
.LBB2_5:
0x10: {  	s23 =	sadd.s32 $0x1, s23  }
0x11: {  	p0 =	sne.s32 s23, s6  }
.Ltmp1:
0x12: {  	_ = 	snop;
	(pc) =	sbr.rel @!p0 .LBB2_6-.Ltmp1, $4  }
0x13: {  	[hbm4b:s5+s20] =	stream.strided.scatter [tilespmem:s22], [sflag:$0x2], $0x2000, s21, s20, $0x38;
	[tilespmem:$0x12200] =	vst v63  }
0x14: {  	_ =	swait.ge [sflag:s7], $0x2000  }
0x15: {  	[sflag:s7] =	ssyncset.done $0x0  }
0x16: {  	[sflag:s7] =	ssyncadd.s32 $0xFFFFE000  }
.LBB2_1:
0x17: {  	s24 =	simm.s32 $0x0  }
0x18: {  	[tilespmem:s24], [sflag:$0x2] =	stream.linear.gather [hbm4b:s4+s24], $0x200, $0x38;
	[tilespmem:$0x12200] =	vst v63  }
0x19: {  	_ =	swait.ge [sflag:s7], $0x200  }
0x1a: {  	[sflag:s7] =	ssyncset.done $0x0  }
0x1b: {  	[sflag:s7] =	ssyncadd.s32 $0xFFFFFE00  }
0x1c: {  	v1 =	vld [tilespmem:$0x0];
	_ =	sdelay $0x4  }
0x1d: {  	v1 =	vand.u32 $0xFFFFFF80, v1  }
0x1e: {  	v1 =	vadd.s32 s2, v1  }
0x1f: {  	(v2sf) =	vpush v1, $0x0;
	_ =	sdelay $0x1  }
0x20: {  	(v2sf) =	vpush v1, $0x1;
	_ =	sdelay $0x1  }
0x21: {  	(v2sf) =	vpush v1, $0x2;
	_ =	sdelay $0x1  }
0x22: {  	(v2sf) =	vpush v1, $0x3;
	_ =	sdelay $0x1  }
0x23: {  	(v2sf) =	vpush v1, $0x4;
	_ =	sdelay $0x1  }
0x24: {  	(v2sf) =	vpush v1, $0x5;
	_ =	sdelay $0x1  }
0x25: {  	(v2sf) =	vpush v1, $0x6;
	_ =	sdelay $0x1  }
0x26: {  	(v2sf) =	vpush v1, $0x7  }
0x27: {  	s26 =	spop (v2sf)  }
0x28: {  	(v2sf) =	vpush v1, $0x8;
	[tilespmem:s10], [sflag:$0x1] =	stream.strided.gather [hbm4b:s26+s8], $0x800, s9, s8, $0x38;
	[tilespmem:$0x12200] =	vst v63  }
0x29: {  	s25 =	simm.s32 $0xA00;
	s29 =	spop (v2sf)  }
0x2a: {  	(v2sf) =	vpush v1, $0x9;
	[tilespmem:s25], [sflag:$0x1] =	stream.strided.gather [hbm4b:s29+s8], $0x800, s9, s8, $0x38;
	[tilespmem:$0x12200] =	vst v63  }
0x2b: {  	s31 =	simm.s32 $0x1200;
	s30 =	spop (v2sf)  }
0x2c: {  	(v2sf) =	vpush v1, $0xA;
	[tilespmem:s31], [sflag:$0x1] =	stream.strided.gather [hbm4b:s30+s8], $0x800, s9, s8, $0x38;
	[tilespmem:$0x12200] =	vst v63  }
0x2d: {  	s26 =	spop (v2sf);
	s29 =	simm.s32 $0x1A00  }
0x2e: {  	(v2sf) =	vpush v1, $0xB;
	[tilespmem:s29], [sflag:$0x1] =	stream.strided.gather [hbm4b:s26+s8], $0x800, s9, s8, $0x38;
	[tilespmem:$0x12200] =	vst v63  }
0x2f: {  	s30 =	spop (v2sf);
	s31 =	simm.s32 $0x2200  }
0x30: {  	(v2sf) =	vpush v1, $0xC;
	[tilespmem:s31], [sflag:$0x1] =	stream.strided.gather [hbm4b:s30+s8], $0x800, s9, s8, $0x38;
	[tilespmem:$0x12200] =	vst v63  }
0x31: {  	s26 =	spop (v2sf);
	s29 =	simm.s32 $0x2A00  }
0x32: {  	(v2sf) =	vpush v1, $0xD;
	[tilespmem:s29], [sflag:$0x1] =	stream.strided.gather [hbm4b:s26+s8], $0x800, s9, s8, $0x38;
	[tilespmem:$0x12200] =	vst v63  }
0x33: {  	s30 =	spop (v2sf);
	s31 =	simm.s32 $0x3200  }
0x34: {  	(v2sf) =	vpush v1, $0xE;
	[tilespmem:s31], [sflag:$0x1] =	stream.strided.gather [hbm4b:s30+s8], $0x800, s9, s8, $0x38;
	[tilespmem:$0x12200] =	vst v63  }
0x35: {  	s26 =	spop (v2sf);
	s29 =	simm.s32 $0x3A00  }
0x36: {  	(v2sf) =	vpush v1, $0xF;
	[tilespmem:s29], [sflag:$0x1] =	stream.strided.gather [hbm4b:s26+s8], $0x800, s9, s8, $0x38;
	[tilespmem:$0x12200] =	vst v63  }
0x37: {  	s31 =	simm.s32 $0x4200;
	s30 =	spop (v2sf)  }
0x38: {  	[tilespmem:s31], [sflag:$0x1] =	stream.strided.gather [hbm4b:s30+s8], $0x800, s9, s8, $0x38;
	[tilespmem:$0x12200] =	vst v63  }
0x39: {  	s29 =	simm.s32 $0x4A00;
	s26 =	spop (v2sf)  }
0x3a: {  	[tilespmem:s29], [sflag:$0x1] =	stream.strided.gather [hbm4b:s26+s8], $0x800, s9, s8, $0x38;
	[tilespmem:$0x12200] =	vst v63  }
0x3b: {  	s30 =	spop (v2sf);
	s31 =	simm.s32 $0x5200  }
0x3c: {  	[tilespmem:s31], [sflag:$0x1] =	stream.strided.gather [hbm4b:s30+s8], $0x800, s9, s8, $0x38;
	[tilespmem:$0x12200] =	vst v63  }
0x3d: {  	s26 =	spop (v2sf);
	s29 =	simm.s32 $0x5A00  }
0x3e: {  	[tilespmem:s29], [sflag:$0x1] =	stream.strided.gather [hbm4b:s26+s8], $0x800, s9, s8, $0x38;
	[tilespmem:$0x12200] =	vst v63  }
0x3f: {  	s30 =	spop (v2sf);
	s31 =	simm.s32 $0x6200  }
0x40: {  	[tilespmem:s31], [sflag:$0x1] =	stream.strided.gather [hbm4b:s30+s8], $0x800, s9, s8, $0x38;
	[tilespmem:$0x12200] =	vst v63  }
0x41: {  	s26 =	spop (v2sf);
	s29 =	simm.s32 $0x6A00  }
0x42: {  	[tilespmem:s29], [sflag:$0x1] =	stream.strided.gather [hbm4b:s26+s8], $0x800, s9, s8, $0x38;
	[tilespmem:$0x12200] =	vst v63  }
0x43: {  	s30 =	spop (v2sf);
	s31 =	simm.s32 $0x7200  }
0x44: {  	[tilespmem:s31], [sflag:$0x1] =	stream.strided.gather [hbm4b:s30+s8], $0x800, s9, s8, $0x38;
	[tilespmem:$0x12200] =	vst v63  }
0x45: {  	s26 =	spop (v2sf);
	s29 =	simm.s32 $0x7A00  }
0x46: {  	[tilespmem:s29], [sflag:$0x1] =	stream.strided.gather [hbm4b:s26+s8], $0x800, s9, s8, $0x38;
	[tilespmem:$0x12200] =	vst v63  }
0x47: {  	v1 =	vld [tilespmem:$0x10];
	_ =	sdelay $0x4  }
0x48: {  	v1 =	vand.u32 $0xFFFFFF80, v1  }
0x49: {  	v1 =	vadd.s32 s2, v1  }
0x4a: {  	(v2sf) =	vpush v1, $0x0;
	_ =	sdelay $0x1  }
0x4b: {  	(v2sf) =	vpush v1, $0x1;
	_ =	sdelay $0x1  }
0x4c: {  	(v2sf) =	vpush v1, $0x2;
	_ =	sdelay $0x1  }
0x4d: {  	(v2sf) =	vpush v1, $0x3;
	_ =	sdelay $0x1  }
0x4e: {  	(v2sf) =	vpush v1, $0x4;
	_ =	sdelay $0x1  }
0x4f: {  	(v2sf) =	vpush v1, $0x5;
	_ =	sdelay $0x1  }
0x50: {  	(v2sf) =	vpush v1, $0x6;
	_ =	sdelay $0x1  }
0x51: {  	(v2sf) =	vpush v1, $0x7  }
0x52: {  	s31 =	simm.s32 $0x8200;
	s30 =	spop (v2sf)  }
0x53: {  	(v2sf) =	vpush v1, $0x8;
	[tilespmem:s31], [sflag:$0x1] =	stream.strided.gather [hbm4b:s30+s8], $0x800, s9, s8, $0x38;
	[tilespmem:$0x12200] =	vst v63  }
0x54: {  	s29 =	simm.s32 $0x8A00;
	s26 =	spop (v2sf)  }
0x55: {  	(v2sf) =	vpush v1, $0x9;
	[tilespmem:s29], [sflag:$0x1] =	stream.strided.gather [hbm4b:s26+s8], $0x800, s9, s8, $0x38;
	[tilespmem:$0x12200] =	vst v63  }
0x56: {  	s31 =	simm.s32 $0x9200;
	s30 =	spop (v2sf)  }
0x57: {  	(v2sf) =	vpush v1, $0xA;
	[tilespmem:s31], [sflag:$0x1] =	stream.strided.gather [hbm4b:s30+s8], $0x800, s9, s8, $0x38;
	[tilespmem:$0x12200] =	vst v63  }
0x58: {  	s25 =	spop (v2sf);
	s26 =	simm.s32 $0x9A00  }
0x59: {  	(v2sf) =	vpush v1, $0xB;
	[tilespmem:s26], [sflag:$0x1] =	stream.strided.gather [hbm4b:s25+s8], $0x800, s9, s8, $0x38;
	[tilespmem:$0x12200] =	vst v63  }
0x5a: {  	s29 =	spop (v2sf);
	s30 =	simm.s32 $0xA200  }
0x5b: {  	(v2sf) =	vpush v1, $0xC;
	[tilespmem:s30], [sflag:$0x1] =	stream.strided.gather [hbm4b:s29+s8], $0x800, s9, s8, $0x38;
	[tilespmem:$0x12200] =	vst v63  }
0x5c: {  	s31 =	spop (v2sf)  }
0x5d: {  	(v2sf) =	vpush v1, $0xD;
	[tilespmem:s0], [sflag:$0x1] =	stream.strided.gather [hbm4b:s31+s8], $0x800, s9, s8, $0x38;
	[tilespmem:$0x12200] =	vst v63  }
0x5e: {  	s25 =	spop (v2sf)  }
0x5f: {  	[tilespmem:s1], [sflag:$0x1] =	stream.strided.gather [hbm4b:s25+s8], $0x800, s9, s8, $0x38;
	[tilespmem:$0x12200] =	vst v63  }
0x60: {  	(v2sf) =	vpush v1, $0xE;
	s26 =	spop (v2sf)  }
0x61: {  	[tilespmem:s3], [sflag:$0x1] =	stream.strided.gather [hbm4b:s26+s8], $0x800, s9, s8, $0x38;
	[tilespmem:$0x12200] =	vst v63  }
0x62: {  	(v2sf) =	vpush v1, $0xF;
	s29 =	spop (v2sf)  }
0x63: {  	[tilespmem:s11], [sflag:$0x1] =	stream.strided.gather [hbm4b:s29+s8], $0x800, s9, s8, $0x38;
	[tilespmem:$0x12200] =	vst v63  }
0x64: {  	s30 =	spop (v2sf)  }
0x65: {  	[tilespmem:s12], [sflag:$0x1] =	stream.strided.gather [hbm4b:s30+s8], $0x800, s9, s8, $0x38;
	[tilespmem:$0x12200] =	vst v63  }
0x66: {  	s31 =	spop (v2sf)  }
0x67: {  	[tilespmem:s13], [sflag:$0x1] =	stream.strided.gather [hbm4b:s31+s8], $0x800, s9, s8, $0x38;
	[tilespmem:$0x12200] =	vst v63  }
0x68: {  	s25 =	spop (v2sf)  }
0x69: {  	[tilespmem:s14], [sflag:$0x1] =	stream.strided.gather [hbm4b:s25+s8], $0x800, s9, s8, $0x38;
	[tilespmem:$0x12200] =	vst v63  }
0x6a: {  	s26 =	spop (v2sf)  }
0x6b: {  	[tilespmem:s15], [sflag:$0x1] =	stream.strided.gather [hbm4b:s26+s8], $0x800, s9, s8, $0x38;
	[tilespmem:$0x12200] =	vst v63  }
0x6c: {  	s29 =	spop (v2sf)  }
0x6d: {  	[tilespmem:s16], [sflag:$0x1] =	stream.strided.gather [hbm4b:s29+s8], $0x800, s9, s8, $0x38;
	[tilespmem:$0x12200] =	vst v63  }
.Ltmp2:
0x6e: {  	_ = 	snop;
	(pc) =	sbr.rel .LBB2_2-.Ltmp2, $4  }
0x6f: {  	s28 =	simm.s32 $0x0;
	s24 =	simm.s32 $0x20;
	s30 =	spop (v2sf)  }
0x70: {  	[tilespmem:s17], [sflag:$0x1] =	stream.strided.gather [hbm4b:s30+s8], $0x800, s9, s8, $0x38;
	[tilespmem:$0x12200] =	vst v63  }
0x71: {  	s31 =	spop (v2sf);
	s25 =	simm.s32 $0x0;
	s26 =	simm.s32 $0x0  }
0x72: {  	[tilespmem:s18], [sflag:$0x1] =	stream.strided.gather [hbm4b:s31+s8], $0x800, s9, s8, $0x38;
	[tilespmem:$0x12200] =	vst v63  }
.LBB2_4:
0x73: {  	s28 =	sadd.s32 $0x1, s28  }
0x74: {  	p0 =	sne.s32 s28, $0x20  }
.Ltmp3:
0x75: {  	_ = 	snop;
	(pc) =	sbr.rel @!p0 .LBB2_5-.Ltmp3, $2  }
0x76: {  	_ =	sdelay $0x2  }
0x77: {  	s24 =	sadd.s32 $0x10, s24;
	s26 =	sadd.s32 $0x80, s26;
	s25 =	sadd.s32 $0x10, s25  }
.LBB2_2:
0x78: {  	_ =	swait.ge [sflag:s19], $0x800  }
0x79: {  	[sflag:s19] =	ssyncset.done $0x0  }
0x7a: {  	[sflag:s19] =	ssyncadd.s32 $0xFFFFF800  }
0x7b: {  	_ =	swait.ge [sflag:s19], $0x800  }
0x7c: {  	[sflag:s19] =	ssyncset.done $0x0  }
0x7d: {  	[sflag:s19] =	ssyncadd.s32 $0xFFFFF800  }
0x7e: {  	_ =	swait.ge [sflag:s19], $0x800  }
0x7f: {  	[sflag:s19] =	ssyncset.done $0x0  }
0x80: {  	[sflag:s19] =	ssyncadd.s32 $0xFFFFF800  }
0x81: {  	_ =	swait.ge [sflag:s19], $0x800  }
0x82: {  	[sflag:s19] =	ssyncset.done $0x0  }
0x83: {  	[sflag:s19] =	ssyncadd.s32 $0xFFFFF800  }
0x84: {  	_ =	swait.ge [sflag:s19], $0x800  }
0x85: {  	[sflag:s19] =	ssyncset.done $0x0  }
0x86: {  	[sflag:s19] =	ssyncadd.s32 $0xFFFFF800  }
0x87: {  	_ =	swait.ge [sflag:s19], $0x800  }
0x88: {  	[sflag:s19] =	ssyncset.done $0x0  }
0x89: {  	[sflag:s19] =	ssyncadd.s32 $0xFFFFF800  }
0x8a: {  	_ =	swait.ge [sflag:s19], $0x800  }
0x8b: {  	[sflag:s19] =	ssyncset.done $0x0  }
0x8c: {  	[sflag:s19] =	ssyncadd.s32 $0xFFFFF800  }
0x8d: {  	_ =	swait.ge [sflag:s19], $0x800  }
0x8e: {  	[sflag:s19] =	ssyncset.done $0x0  }
0x8f: {  	[sflag:s19] =	ssyncadd.s32 $0xFFFFF800  }
0x90: {  	_ =	swait.ge [sflag:s19], $0x800  }
0x91: {  	[sflag:s19] =	ssyncset.done $0x0  }
0x92: {  	[sflag:s19] =	ssyncadd.s32 $0xFFFFF800  }
0x93: {  	_ =	swait.ge [sflag:s19], $0x800  }
0x94: {  	[sflag:s19] =	ssyncset.done $0x0  }
0x95: {  	[sflag:s19] =	ssyncadd.s32 $0xFFFFF800  }
0x96: {  	_ =	swait.ge [sflag:s19], $0x800  }
0x97: {  	[sflag:s19] =	ssyncset.done $0x0  }
0x98: {  	[sflag:s19] =	ssyncadd.s32 $0xFFFFF800  }
0x99: {  	_ =	swait.ge [sflag:s19], $0x800  }
0x9a: {  	[sflag:s19] =	ssyncset.done $0x0  }
0x9b: {  	[sflag:s19] =	ssyncadd.s32 $0xFFFFF800  }
0x9c: {  	_ =	swait.ge [sflag:s19], $0x800  }
0x9d: {  	[sflag:s19] =	ssyncset.done $0x0  }
0x9e: {  	[sflag:s19] =	ssyncadd.s32 $0xFFFFF800  }
0x9f: {  	_ =	swait.ge [sflag:s19], $0x800  }
0xa0: {  	[sflag:s19] =	ssyncset.done $0x0  }
0xa1: {  	[sflag:s19] =	ssyncadd.s32 $0xFFFFF800  }
0xa2: {  	_ =	swait.ge [sflag:s19], $0x800  }
0xa3: {  	[sflag:s19] =	ssyncset.done $0x0  }
0xa4: {  	[sflag:s19] =	ssyncadd.s32 $0xFFFFF800  }
0xa5: {  	_ =	swait.ge [sflag:s19], $0x800  }
0xa6: {  	[sflag:s19] =	ssyncset.done $0x0  }
0xa7: {  	[sflag:s19] =	ssyncadd.s32 $0xFFFFF800  }
0xa8: {  	v1 =	vld [tilespmem:s24+$0xFFFFFFE0];
	_ =	sdelay $0x1  }
0xa9: {  	s29 =	sand.u32 $0x10, s25  }
0xaa: {  	v2 =	vmov s29  }
0xab: {  	v2 =	vshll.u32 v2, $0xB  }
0xac: {  	v2 =	vor.u32 v0, v2;
	v1 =	vand.u32 $0x7F, v1  }
0xad: {  	v1 =	vor.u32 v2, v1  }
0xae: {  	v2 =	vor.u32 $0x80, v1;
	_ =	sdelay $0x1  }
0xaf: {  	v3 =	vor.u32 $0x100, v1;
	_ =	sdelay $0x1  }
0xb0: {  	v5 =	vor.u32 $0x180, v1;
	v4 =	vld.idx.msk [tilespmem:v1+s10+$0x0], $0xffff  }
0xb1: {  	v2 =	vld.idx.msk [tilespmem:v2+s10+$0x0], $0xffff  }
0xb2: {  	v6 =	vor.u32 $0x200, v1  }
0xb3: {  	v3 =	vld.idx.msk [tilespmem:v3+s10+$0x0], $0xffff  }
0xb4: {  	v7 =	vor.u32 $0x280, v1  }
0xb5: {  	v5 =	vld.idx.msk [tilespmem:v5+s10+$0x0], $0xffff  }
0xb6: {  	v8 =	vor.u32 $0x300, v1;
	v9 =	vmul.f32 v4, v4;
	v10 =	vmul.f32 v2, v2  }
0xb7: {  	v6 =	vld.idx.msk [tilespmem:v6+s10+$0x0], $0xffff  }
0xb8: {  	v11 =	vor.u32 $0x380, v1;
	v50 =	vmul.f32 v3, v3;
	v9 =	vadd.f32 v10, v9  }
0xb9: {  	v7 =	vld.idx.msk [tilespmem:v7+s10+$0x0], $0xffff  }
0xba: {  	v12 =	vor.u32 $0x400, v1;
	v51 =	vmul.f32 v5, v5;
	v9 =	vadd.f32 v50, v9  }
0xbb: {  	v8 =	vld.idx.msk [tilespmem:v8+s10+$0x0], $0xffff  }
0xbc: {  	v13 =	vor.u32 $0x480, v1;
	v52 =	vmul.f32 v6, v6;
	v9 =	vadd.f32 v51, v9  }
0xbd: {  	v11 =	vld.idx.msk [tilespmem:v11+s10+$0x0], $0xffff  }
0xbe: {  	v14 =	vor.u32 $0x500, v1;
	v53 =	vmul.f32 v7, v7;
	v9 =	vadd.f32 v52, v9  }
0xbf: {  	v12 =	vld.idx.msk [tilespmem:v12+s10+$0x0], $0xffff  }
0xc0: {  	v15 =	vor.u32 $0x580, v1;
	v54 =	vmul.f32 v8, v8;
	v9 =	vadd.f32 v53, v9  }
0xc1: {  	v13 =	vld.idx.msk [tilespmem:v13+s10+$0x0], $0xffff  }
0xc2: {  	v16 =	vor.u32 $0x600, v1;
	v55 =	vmul.f32 v11, v11;
	v9 =	vadd.f32 v54, v9  }
0xc3: {  	v14 =	vld.idx.msk [tilespmem:v14+s10+$0x0], $0xffff  }
0xc4: {  	v17 =	vor.u32 $0x680, v1;
	v56 =	vmul.f32 v12, v12;
	v9 =	vadd.f32 v55, v9  }
0xc5: {  	v15 =	vld.idx.msk [tilespmem:v15+s10+$0x0], $0xffff  }
0xc6: {  	v18 =	vor.u32 $0x700, v1;
	v57 =	vmul.f32 v13, v13;
	v9 =	vadd.f32 v56, v9  }
0xc7: {  	v16 =	vld.idx.msk [tilespmem:v16+s10+$0x0], $0xffff  }
0xc8: {  	v1 =	vor.u32 $0x780, v1;
	v58 =	vmul.f32 v14, v14;
	v9 =	vadd.f32 v57, v9  }
0xc9: {  	v17 =	vld.idx.msk [tilespmem:v17+s10+$0x0], $0xffff  }
0xca: {  	v59 =	vmul.f32 v15, v15;
	v9 =	vadd.f32 v58, v9  }
0xcb: {  	v18 =	vld.idx.msk [tilespmem:v18+s10+$0x0], $0xffff  }
0xcc: {  	v60 =	vmul.f32 v16, v16;
	v9 =	vadd.f32 v59, v9  }
0xcd: {  	v1 =	vld.idx.msk [tilespmem:v1+s10+$0x0], $0xffff  }
0xce: {  	v61 =	vmul.f32 v17, v17;
	v9 =	vadd.f32 v60, v9;
	_ =	sdelay $0x1  }
0xcf: {  	v62 =	vmul.f32 v18, v18;
	v9 =	vadd.f32 v61, v9;
	_ =	sdelay $0x1  }
0xd0: {  	v63 =	vmul.f32 v1, v1;
	v9 =	vadd.f32 v62, v9;
	_ =	sdelay $0x1  }
0xd1: {  	v9 =	vadd.f32 v63, v9;
	_ =	sdelay $0x1  }
0xd2: {  	v10 =	vshra.s32 v9, $0x1;
	v19 =	vmul.f32 $5.000000000e-01, v9  }
0xd3: {  	v10 =	vsub.s32 $0x5F3759DF, v10  }
0xd4: {  	v20 =	vmul.f32 v10, v19;
	_ =	sdelay $0x1  }
0xd5: {  	v20 =	vmul.f32 v10, v20;
	_ =	sdelay $0x1  }
0xd6: {  	v20 =	vsub.f32 $1.500000000e+00, v20;
	_ =	sdelay $0x1  }
0xd7: {  	v10 =	vmul.f32 v10, v20;
	_ =	sdelay $0x1  }
0xd8: {  	v20 =	vmul.f32 v10, v19;
	_ =	sdelay $0x1  }
0xd9: {  	v20 =	vmul.f32 v20, v10;
	_ =	sdelay $0x1  }
0xda: {  	v20 =	vsub.f32 $1.500000000e+00, v20;
	_ =	sdelay $0x1  }
0xdb: {  	v10 =	vmul.f32 v20, v10;
	_ =	sdelay $0x1  }
0xdc: {  	v19 =	vmul.f32 v10, v19;
	_ =	sdelay $0x1  }
0xdd: {  	v19 =	vmul.f32 v19, v10;
	_ =	sdelay $0x1  }
0xde: {  	v19 =	vsub.f32 $1.500000000e+00, v19;
	_ =	sdelay $0x1  }
0xdf: {  	v10 =	vmul.f32 v19, v10;
	_ =	sdelay $0x1  }
0xe0: {  	v10 =	vadd.f32 v10, v10  }
0xe1: {  	vm0 =	vgt.f32 v9, $4.000000000e+00  }
0xe2: {  	v9 =	vnsel vm0, $0x3F800000, v10  }
0xe3: {  	s30 =	sand.u32 $0x70, s25;
	s31 =	sand.u32 $0xC00, s26;
	v4 =	vmul.f32 v9, v4  }
0xe4: {  	s30 =	sor.u32 s30, s31;
	v2 =	vmul.f32 v9, v2  }
0xe5: {  	v3 =	vmul.f32 v9, v3;
	[tilespmem:s30+$0x10200] =	vst v4  }
0xe6: {  	[tilespmem:s30+$0x10280] =	vst v2;
	v2 =	vmul.f32 v9, v5  }
0xe7: {  	[tilespmem:s30+$0x10300] =	vst v3;
	v3 =	vmul.f32 v9, v6  }
0xe8: {  	[tilespmem:s30+$0x10380] =	vst v2;
	v2 =	vmul.f32 v9, v7  }
0xe9: {  	[tilespmem:s30+$0x10400] =	vst v3;
	v3 =	vmul.f32 v9, v8  }
0xea: {  	s31 =	sor.u32 s26, s25;
	[tilespmem:s30+$0x10480] =	vst v2;
	v2 =	vmul.f32 v9, v11  }
0xeb: {  	s31 =	sor.u32 $0x380, s31;
	[tilespmem:s30+$0x10500] =	vst v3;
	v3 =	vmul.f32 v9, v12  }
0xec: {  	v1 =	vmul.f32 v9, v1;
	[tilespmem:s31+$0x10200] =	vst v2  }
0xed: {  	v2 =	vmul.f32 v9, v13;
	[tilespmem:s30+$0x11200] =	vst v3  }
0xee: {  	v3 =	vmul.f32 v9, v14;
	[tilespmem:s30+$0x11580] =	vst v1  }
0xef: {  	p0 =	sgt.u32 s28, $0x1D;
	[tilespmem:s30+$0x11280] =	vst v2;
	v2 =	vmul.f32 v9, v15  }
.Ltmp4:
0xf0: {  	[tilespmem:s30+$0x11300] =	vst v3;
	v3 =	vmul.f32 v9, v16;
	(pc) =	sbr.rel @p0 .LBB2_4-.Ltmp4, $4  }
0xf1: {  	[tilespmem:s30+$0x11380] =	vst v2;
	v2 =	vmul.f32 v9, v17  }
0xf2: {  	[tilespmem:s30+$0x11400] =	vst v3;
	v3 =	vmul.f32 v9, v18  }
0xf3: {  	[tilespmem:s30+$0x11480] =	vst v2  }
0xf4: {  	[tilespmem:s30+$0x11500] =	vst v3  }
0xf5: {  	v1 =	vld [tilespmem:s24+$0x0];
	_ =	sdelay $0x4  }
0xf6: {  	v1 =	vand.u32 $0xFFFFFF80, v1  }
0xf7: {  	v1 =	vadd.s32 s2, v1  }
0xf8: {  	(v2sf) =	vpush v1, $0x0;
	_ =	sdelay $0x1  }
0xf9: {  	(v2sf) =	vpush v1, $0x1;
	_ =	sdelay $0x1  }
0xfa: {  	(v2sf) =	vpush v1, $0x2;
	_ =	sdelay $0x1  }
0xfb: {  	(v2sf) =	vpush v1, $0x3;
	_ =	sdelay $0x1  }
0xfc: {  	(v2sf) =	vpush v1, $0x4;
	_ =	sdelay $0x1  }
0xfd: {  	(v2sf) =	vpush v1, $0x5;
	_ =	sdelay $0x1  }
0xfe: {  	(v2sf) =	vpush v1, $0x6;
	_ =	sdelay $0x1  }
0xff: {  	s29 =	sshll.u32 s29, $0xB;
	(v2sf) =	vpush v1, $0x7  }
0x100: {  	s30 =	sor.u32 $0x200, s29;
	s31 =	spop (v2sf)  }
0x101: {  	(v2sf) =	vpush v1, $0x8;
	[tilespmem:s30], [sflag:$0x1] =	stream.strided.gather [hbm4b:s31+s8], $0x800, s9, s8, $0x38;
	[tilespmem:$0x12200] =	vst v63  }
0x102: {  	s30 =	sadd.s32 $0xA00, s29;
	s31 =	spop (v2sf)  }
0x103: {  	(v2sf) =	vpush v1, $0x9;
	[tilespmem:s30], [sflag:$0x1] =	stream.strided.gather [hbm4b:s31+s8], $0x800, s9, s8, $0x38;
	[tilespmem:$0x12200] =	vst v63  }
0x104: {  	s30 =	sadd.s32 $0x1200, s29;
	s31 =	spop (v2sf)  }
0x105: {  	(v2sf) =	vpush v1, $0xA;
	[tilespmem:s30], [sflag:$0x1] =	stream.strided.gather [hbm4b:s31+s8], $0x800, s9, s8, $0x38;
	[tilespmem:$0x12200] =	vst v63  }
0x106: {  	s30 =	sadd.s32 $0x1A00, s29;
	s31 =	spop (v2sf)  }
0x107: {  	(v2sf) =	vpush v1, $0xB;
	[tilespmem:s30], [sflag:$0x1] =	stream.strided.gather [hbm4b:s31+s8], $0x800, s9, s8, $0x38;
	[tilespmem:$0x12200] =	vst v63  }
0x108: {  	s30 =	sadd.s32 $0x2200, s29;
	s31 =	spop (v2sf)  }
0x109: {  	(v2sf) =	vpush v1, $0xC;
	[tilespmem:s30], [sflag:$0x1] =	stream.strided.gather [hbm4b:s31+s8], $0x800, s9, s8, $0x38;
	[tilespmem:$0x12200] =	vst v63  }
0x10a: {  	s30 =	sadd.s32 $0x2A00, s29;
	s31 =	spop (v2sf)  }
0x10b: {  	(v2sf) =	vpush v1, $0xD;
	[tilespmem:s30], [sflag:$0x1] =	stream.strided.gather [hbm4b:s31+s8], $0x800, s9, s8, $0x38;
	[tilespmem:$0x12200] =	vst v63  }
0x10c: {  	s30 =	sadd.s32 $0x3200, s29;
	s31 =	spop (v2sf)  }
0x10d: {  	[tilespmem:s30], [sflag:$0x1] =	stream.strided.gather [hbm4b:s31+s8], $0x800, s9, s8, $0x38;
	[tilespmem:$0x12200] =	vst v63  }
0x10e: {  	(v2sf) =	vpush v1, $0xE;
	s30 =	sadd.s32 $0x3A00, s29;
	s31 =	spop (v2sf)  }
0x10f: {  	[tilespmem:s30], [sflag:$0x1] =	stream.strided.gather [hbm4b:s31+s8], $0x800, s9, s8, $0x38;
	[tilespmem:$0x12200] =	vst v63  }
0x110: {  	(v2sf) =	vpush v1, $0xF;
	s30 =	spop (v2sf);
	s31 =	sadd.s32 $0x4200, s29  }
0x111: {  	[tilespmem:s31], [sflag:$0x1] =	stream.strided.gather [hbm4b:s30+s8], $0x800, s9, s8, $0x38;
	[tilespmem:$0x12200] =	vst v63  }
0x112: {  	s30 =	spop (v2sf);
	s31 =	sadd.s32 $0x4A00, s29  }
0x113: {  	[tilespmem:s31], [sflag:$0x1] =	stream.strided.gather [hbm4b:s30+s8], $0x800, s9, s8, $0x38;
	[tilespmem:$0x12200] =	vst v63  }
0x114: {  	s30 =	spop (v2sf);
	s31 =	sadd.s32 $0x5200, s29  }
0x115: {  	[tilespmem:s31], [sflag:$0x1] =	stream.strided.gather [hbm4b:s30+s8], $0x800, s9, s8, $0x38;
	[tilespmem:$0x12200] =	vst v63  }
0x116: {  	s30 =	spop (v2sf);
	s31 =	sadd.s32 $0x5A00, s29  }
0x117: {  	[tilespmem:s31], [sflag:$0x1] =	stream.strided.gather [hbm4b:s30+s8], $0x800, s9, s8, $0x38;
	[tilespmem:$0x12200] =	vst v63  }
0x118: {  	s30 =	spop (v2sf);
	s31 =	sadd.s32 $0x6200, s29  }
0x119: {  	[tilespmem:s31], [sflag:$0x1] =	stream.strided.gather [hbm4b:s30+s8], $0x800, s9, s8, $0x38;
	[tilespmem:$0x12200] =	vst v63  }
0x11a: {  	s30 =	spop (v2sf);
	s31 =	sadd.s32 $0x6A00, s29  }
0x11b: {  	[tilespmem:s31], [sflag:$0x1] =	stream.strided.gather [hbm4b:s30+s8], $0x800, s9, s8, $0x38;
	[tilespmem:$0x12200] =	vst v63  }
.Ltmp5:
0x11c: {  	_ = 	snop;
	(pc) =	sbr.rel .LBB2_4-.Ltmp5, $4  }
0x11d: {  	s30 =	spop (v2sf);
	s31 =	sadd.s32 $0x7200, s29  }
0x11e: {  	[tilespmem:s31], [sflag:$0x1] =	stream.strided.gather [hbm4b:s30+s8], $0x800, s9, s8, $0x38;
	[tilespmem:$0x12200] =	vst v63  }
0x11f: {  	s29 =	sadd.s32 $0x7A00, s29;
	s31 =	spop (v2sf)  }
0x120: {  	[tilespmem:s29], [sflag:$0x1] =	stream.strided.gather [hbm4b:s31+s8], $0x800, s9, s8, $0x38;
	[tilespmem:$0x12200] =	vst v63  }
.LBB2_6:
0x121: {  	_ =	sfence.sel $0x180000  }
0x122: {  	[bflag:$0x0] =	sbarrier.arrive $0xFFFF  }
0x123: {  	_ =	strace $0x90000047  }
0x124: {  	s0 =	stileid.u32;
	[bflag:$0x2] =	sbarrier.arrive $0xFFFF  }
0x125: {  	p0 =	sne.s32 s0, $0x0;
	s0 =	rddreg [dreg:$0x3]  }
0x126: {  	s0 =	sadd.s32 @!p0 $0x100000, s0  }
0x127: {  	[sflag:s0] =	ssyncadd.tile.s32 @!p0 $0x1;
	_ =	shalt  }
.Lfunc_end2:
_tile_overlayer_lowered:
.L_overlay_start_2:
0x128: {  	(tag) =	ssettag $0x2  }
0x129: {  	s0 =	rddreg [dreg:$0x0];
	s2 =	stileid.u32  }
0x12a: {  	s1 =	rddreg [dreg:$0x1];
	p0 =	sne.s32 s2, $0x0  }
0x12b: {  	s3 =	rddreg [dreg:$0x2];
	[bflag:$0x3] =	sbarrier.arrive $0xFFFF;
	s2 =	simm.s32 @!p0 $0x1C02  }
0x12c: {  	[timem:s3], [sflag:s2] =	dma.local @!p0 [hbm:s0], s1  }
0x12d: {  	s0 =	simm.s32 @!p0 $0x2  }
0x12e: {  	_ =	swait.ge @!p0 [sflag:s0], s1  }
0x12f: {  	s1 =	ssub.s32 @!p0 $0x0, s1;
	[sflag:s0] =	ssyncset.done @!p0 $0x0  }
0x130: {  	[sflag:s0] =	ssyncadd.s32 @!p0 s1  }
0x131: {  	[bflag:$0x3] =	sbarrier.arrive $0xFFFF  }
0x132: {  	_ =	shalt  }

</sc_bundles>
